<compile_context>
chip_gen: v7x
topology: tpu7x:2x2x1
jax: 0.10.2.dev20260603
libtpu: 0.0.44.dev20260713+nightly
codegen_flags: <defaults>
</compile_context>

<pallas_src>
import functools

import jax
import jax.numpy as jnp
from jax import lax
from jax.experimental import pallas as pl
from jax.experimental.pallas import tpu as pltpu
from jax.experimental.pallas import tpu_sc as plsc

N = 10000
E = 320000
D = 128
H = 64
G = 64

NPAD = 10240
K = 128
NW = 32
TPW = 80
EPAD = NW * TPW * K
RPT = NPAD // 16


def _segsum_body(y_hbm, src_hbm, dst_hbm, zeros_hbm, out_hbm,
                 acc_sh, src_v, dst_v, rows_v, zbuf_v, sem):
    c = lax.axis_index("c")
    s = lax.axis_index("s")
    wid = s * 2 + c
    pltpu.sync_copy(zeros_hbm.at[pl.ds(s * RPT, RPT)], zbuf_v)
    pltpu.sync_copy(zbuf_v, acc_sh.at[pl.ds(s * RPT, RPT)])
    pltpu.sync_copy(src_hbm.at[pl.ds(wid * TPW, TPW)], src_v)
    pltpu.sync_copy(dst_hbm.at[pl.ds(wid * TPW, TPW)], dst_v)
    plsc.subcore_barrier()

    @pl.loop(0, TPW)
    def _edge_loop(t):
        pltpu.async_copy(y_hbm.at[src_v.at[t]], rows_v, sem).wait()
        pltpu.sync_copy(rows_v, acc_sh.at[dst_v.at[t]], add=True)

    plsc.subcore_barrier()
    pltpu.sync_copy(acc_sh.at[pl.ds(s * RPT, RPT)], zbuf_v)
    pltpu.sync_copy(zbuf_v, out_hbm.at[c, pl.ds(s * RPT, RPT)])


@functools.cache
def _get_segsum():
    return pl.kernel(
        _segsum_body,
        out_type=jax.ShapeDtypeStruct((2, NPAD, H), jnp.float32),
        mesh=plsc.VectorSubcoreMesh(core_axis_name="c", subcore_axis_name="s"),
        compiler_params=pltpu.CompilerParams(use_tc_tiling_on_sc=False),
        scratch_types=[
            pltpu.VMEM_SHARED((NPAD, H), jnp.float32),
            pltpu.VMEM((TPW, K), jnp.int32),
            pltpu.VMEM((TPW, K), jnp.int32),
            pltpu.VMEM((K, H), jnp.float32),
            pltpu.VMEM((RPT, H), jnp.float32),
            pltpu.SemaphoreType.DMA,
        ],
    )


def _segsum(y, src2, dst2, zeros):
    return _get_segsum()(y, src2, dst2, zeros)


def _mlp_bn(z, w1_ref, b1_ref, w2_ref, b2_ref, g_ref, be_ref):
    h = jnp.maximum(
        jnp.dot(z, w1_ref[...], preferred_element_type=jnp.float32)
        + b1_ref[...], 0.0)
    h = jnp.maximum(
        jnp.dot(h, w2_ref[...], preferred_element_type=jnp.float32)
        + b2_ref[...], 0.0)
    mean = jnp.mean(h, axis=0, keepdims=True)
    var = jnp.mean((h - mean) ** 2, axis=0, keepdims=True)
    hn = (h - mean) / jnp.sqrt(var + 1e-5) * g_ref[...] + be_ref[...]
    return jnp.maximum(hn, 0.0)


def _layer1_body(x_ref, agglo_ref, agghi_ref, w1_ref, b1_ref, w2_ref,
                 b2_ref, g_ref, be_ref, o_ref):
    agg = jnp.concatenate(
        [agglo_ref[0, :N, :] + agglo_ref[1, :N, :],
         agghi_ref[0, :N, :] + agghi_ref[1, :N, :]], axis=1)
    z = x_ref[...] + agg
    o_ref[...] = _mlp_bn(z, w1_ref, b1_ref, w2_ref, b2_ref, g_ref, be_ref)


def _layer1(x, agglo, agghi, w1, b1, w2, b2, gamma, beta):
    return pl.pallas_call(
        _layer1_body,
        out_shape=jax.ShapeDtypeStruct((N, H), jnp.float32),
    )(x, agglo, agghi, w1, b1.reshape(1, H), w2, b2.reshape(1, H),
      gamma.reshape(1, H), beta.reshape(1, H))


def _layer_body(h_ref, agg_ref, w1_ref, b1_ref, w2_ref, b2_ref, g_ref,
                be_ref, o_ref):
    z = h_ref[...] + (agg_ref[0, :N, :] + agg_ref[1, :N, :])
    o_ref[...] = _mlp_bn(z, w1_ref, b1_ref, w2_ref, b2_ref, g_ref, be_ref)


def _layer(h, agg, w1, b1, w2, b2, gamma, beta):
    return pl.pallas_call(
        _layer_body,
        out_shape=jax.ShapeDtypeStruct((N, H), jnp.float32),
    )(h, agg, w1, b1.reshape(1, H), w2, b2.reshape(1, H),
      gamma.reshape(1, H), beta.reshape(1, H))


def _final_body(h_ref, agg_ref, w1_ref, b1_ref, w2_ref, b2_ref, g_ref,
                be_ref, batch_ref, fcw_ref, fcb_ref, o_ref):
    z = h_ref[...] + (agg_ref[0, :N, :] + agg_ref[1, :N, :])
    h = _mlp_bn(z, w1_ref, b1_ref, w2_ref, b2_ref, g_ref, be_ref)
    seg = lax.broadcasted_iota(jnp.int32, (G, N), 0)
    mask = (seg == batch_ref[...]).astype(jnp.float32)
    pooled = jnp.dot(mask, h, preferred_element_type=jnp.float32,
                     precision=jax.lax.Precision.HIGHEST)
    o_ref[...] = jnp.dot(pooled, fcw_ref[...],
                         preferred_element_type=jnp.float32) + fcb_ref[...]


def _final(h, agg, w1, b1, w2, b2, gamma, beta, batch, fc_W, fc_b):
    return pl.pallas_call(
        _final_body,
        out_shape=jax.ShapeDtypeStruct((G, 1), jnp.float32),
    )(h, agg, w1, b1.reshape(1, H), w2, b2.reshape(1, H),
      gamma.reshape(1, H), beta.reshape(1, H),
      batch.reshape(1, N).astype(jnp.int32), fc_W, fc_b.reshape(1, 1))


def kernel(x, edge_index, batch,
           c1_W1, c1_b1, c1_W2, c1_b2, c1_gamma, c1_beta,
           c2_W1, c2_b1, c2_W2, c2_b2, c2_gamma, c2_beta,
           c3_W1, c3_b1, c3_W2, c3_b2, c3_gamma, c3_beta,
           fc_W, fc_b):
    src = edge_index[0].astype(jnp.int32)
    dst = edge_index[1].astype(jnp.int32)
    src = jnp.pad(src, (0, EPAD - E)).reshape(NW * TPW, K)
    dst = jnp.pad(dst, (0, EPAD - E),
                  constant_values=NPAD - 1).reshape(NW * TPW, K)
    zeros = jnp.zeros((NPAD, H), jnp.float32)

    a1lo = _segsum(x[:, :H], src, dst, zeros)
    a1hi = _segsum(x[:, H:], src, dst, zeros)
    h1 = _layer1(x, a1lo, a1hi, c1_W1, c1_b1, c1_W2, c1_b2,
                 c1_gamma, c1_beta)
    a2 = _segsum(h1, src, dst, zeros)
    h2 = _layer(h1, a2, c2_W1, c2_b1, c2_W2, c2_b2, c2_gamma, c2_beta)
    a3 = _segsum(h2, src, dst, zeros)
    out = _final(h2, a3, c3_W1, c3_b1, c3_W2, c3_b2, c3_gamma, c3_beta,
                 batch, fc_W, fc_b)
    return out

# --- scband reference (transcript-rebuilt; emitter-appended) ---
"""Pipeline reference for scband-net-70188355551324 (READ-ONLY COPY).

The authoritative reference and input builder live on the scoring server;
editing this copy changes nothing except your own understanding.
"""

import jax, jax.numpy as jnp
import numpy as np

N = 10000
E = 320000
D = 128
H = 64
G = 64

def _glorot(key, shape):
    fan_in = shape[0]
    return jax.random.normal(key, shape, dtype=jnp.float32) * (1.0 / np.sqrt(fan_in))

def setup_inputs(seed: int = 0):
    key = jax.random.key(seed)
    ks = jax.random.split(key, 32)
    inp = {}
    inp["x"] = jax.random.normal(ks[0], (N, D), dtype=jnp.float32)
    inp["edge_index"] = jax.random.randint(ks[1], (2, E), 0, N)
    inp["batch"] = jnp.sort(jax.random.randint(ks[2], (N,), 0, G))
    dims = [D, H, H]
    i = 3
    for li, din in enumerate(dims, start=1):
        inp[f"c{li}_W1"] = _glorot(ks[i], (din, H)); i += 1
        inp[f"c{li}_b1"] = jnp.zeros((H,), jnp.float32)
        inp[f"c{li}_W2"] = _glorot(ks[i], (H, H)); i += 1
        inp[f"c{li}_b2"] = jnp.zeros((H,), jnp.float32)
        inp[f"c{li}_gamma"] = jnp.ones((H,), jnp.float32)
        inp[f"c{li}_beta"] = jnp.zeros((H,), jnp.float32)
    inp["fc_W"] = _glorot(ks[i], (H, 1)); i += 1
    inp["fc_b"] = jnp.zeros((1,), jnp.float32)
    return inp

def _gin_conv(x, src, dst, W1, b1, W2, b2, gamma, beta):
    # GINConv with eps=0: MLP((1+eps)*x + sum_{j in N(i)} x_j)
    agg = jax.ops.segment_sum(x[src], dst, num_segments=x.shape[0])
    h = x + agg
    h = jax.nn.relu(h @ W1 + b1)
    h = jax.nn.relu(h @ W2 + b2)
    # BatchNorm1d in training mode (batch statistics)
    mean = jnp.mean(h, axis=0)
    var = jnp.var(h, axis=0)
    return (h - mean) / jnp.sqrt(var + 1e-5) * gamma + beta

def reference(x, edge_index, batch,
              c1_W1, c1_b1, c1_W2, c1_b2, c1_gamma, c1_beta,
              c2_W1, c2_b1, c2_W2, c2_b2, c2_gamma, c2_beta,
              c3_W1, c3_b1, c3_W2, c3_b2, c3_gamma, c3_beta,
              fc_W, fc_b):
    src = edge_index[0]
    dst = edge_index[1]
    h = jax.nn.relu(_gin_conv(x, src, dst, c1_W1, c1_b1, c1_W2, c1_b2, c1_gamma, c1_beta))
    h = jax.nn.relu(_gin_conv(h, src, dst, c2_W1, c2_b1, c2_W2, c2_b2, c2_gamma, c2_beta))
    h = jax.nn.relu(_gin_conv(h, src, dst, c3_W1, c3_b1, c3_W2, c3_b2, c3_gamma, c3_beta))
    pooled = jax.ops.segment_sum(h, batch, num_segments=G)
    out = pooled @ fc_W + fc_b
    return out  # reg=True -> no sigmoid

if __name__ == "__main__":
    import jax
    _d = setup_inputs()
    print(jax.jit(kernel)(*tuple(_d.values())))

</pallas_src>

<mosaic_0001>
#map = affine_map<(d0, d1) -> (0, 0)>
#map1 = affine_map<(d0, d1) -> (0, 0, 0)>
module attributes {stable_mosaic.version = 14 : i64} {
  func.func @_segsum_body(%arg0: i32, %arg1: i32, %arg2: memref<10000x64xf32, #tpu.memory_space<hbm>>, %arg3: memref<2560x128xi32, #tpu.memory_space<hbm>>, %arg4: memref<2560x128xi32, #tpu.memory_space<hbm>>, %arg5: memref<10240x64xf32, #tpu.memory_space<hbm>>, %arg6: memref<2x10240x64xf32, #tpu.memory_space<hbm>>, %arg7: memref<10240x64xf32, #tpu.memory_space<vmem_shared>>, %arg8: memref<80x128xi32, #tpu.memory_space<vmem>>, %arg9: memref<80x128xi32, #tpu.memory_space<vmem>>, %arg10: memref<128x64xf32, #tpu.memory_space<vmem>>, %arg11: memref<640x64xf32, #tpu.memory_space<vmem>>, %arg12: memref<!tpu.dma_semaphore, #tpu.memory_space<semaphore_mem>>) attributes {dimension_semantics = [#tpu.dimension_semantics<core_parallel>, #tpu.dimension_semantics<subcore_parallel>], iteration_bounds = array<i64: 2, 16>, scalar_prefetch = 0 : i64, scratch_operands = 6 : i64, tpu.core_type = #tpu.core_type<sc_vector_subcore>, window_params = [{transform_indices = #map}, {transform_indices = #map}, {transform_indices = #map}, {transform_indices = #map}, {transform_indices = #map1}]} {
    %mul3A = arith.constant 2 : i32
    %mul3A_0 = arith.muli %arg1, %mul3A : i32
    %add3A = arith.addi %mul3A_0, %arg0 : i32
    %mul3A_1 = arith.constant 640 : i32
    %mul3A_2 = arith.muli %arg1, %mul3A_1 : i32
    "tpu.region"() ({
      %run_scoped3A = tpu.sem_alloc : memref<!tpu.dma_semaphore, #tpu.memory_space<semaphore_mem>>
      %dma_start3A = arith.constant 0 : i32
      %dma_start3A_18 = tpu.memref_slice %arg5[%mul3A_2, %dma_start3A] : memref<10240x64xf32, #tpu.memory_space<hbm>> -> memref<640x64xf32, #tpu.memory_space<hbm>>
      %dma_start3A_19 = arith.constant 0 : i32
      %dma_start3A_20 = tpu.memref_slice %arg5[%mul3A_2, %dma_start3A_19] : memref<10240x64xf32, #tpu.memory_space<hbm>> -> memref<640x64xf32, #tpu.memory_space<hbm>>
      tpu.enqueue_dma source(%dma_start3A_20 : memref<640x64xf32, #tpu.memory_space<hbm>>) target(%arg11 : memref<640x64xf32, #tpu.memory_space<vmem>>) target_semaphore(%run_scoped3A : memref<!tpu.dma_semaphore, #tpu.memory_space<semaphore_mem>>)
      %dma_wait3A = arith.constant 0 : i32
      %dma_wait3A_21 = tpu.memref_slice %arg5[%mul3A_2, %dma_wait3A] : memref<10240x64xf32, #tpu.memory_space<hbm>> -> memref<640x64xf32, #tpu.memory_space<hbm>>
      %dma_wait3A_22 = arith.constant 0 : i32
      %dma_wait3A_23 = tpu.memref_slice %arg5[%mul3A_2, %dma_wait3A_22] : memref<10240x64xf32, #tpu.memory_space<hbm>> -> memref<640x64xf32, #tpu.memory_space<hbm>>
      tpu.wait_dma2 semaphore(%run_scoped3A : memref<!tpu.dma_semaphore, #tpu.memory_space<semaphore_mem>>) src(%dma_wait3A_23 : memref<640x64xf32, #tpu.memory_space<hbm>>) dst(%arg11 : memref<640x64xf32, #tpu.memory_space<vmem>>)
      tpu.yield
    }) : () -> ()
    %mul3A_3 = arith.constant 640 : i32
    %mul3A_4 = arith.muli %arg1, %mul3A_3 : i32
    "tpu.region"() ({
      %run_scoped3A = tpu.sem_alloc : memref<!tpu.dma_semaphore, #tpu.memory_space<semaphore_mem>>
      %dma_start3A = arith.constant 0 : i32
      %dma_start3A_18 = tpu.memref_slice %arg7[%mul3A_4, %dma_start3A] : memref<10240x64xf32, #tpu.memory_space<vmem_shared>> -> memref<640x64xf32, #tpu.memory_space<vmem_shared>>
      %dma_start3A_19 = arith.constant 0 : i32
      %dma_start3A_20 = tpu.memref_slice %arg7[%mul3A_4, %dma_start3A_19] : memref<10240x64xf32, #tpu.memory_space<vmem_shared>> -> memref<640x64xf32, #tpu.memory_space<vmem_shared>>
      tpu.enqueue_dma source(%arg11 : memref<640x64xf32, #tpu.memory_space<vmem>>) target(%dma_start3A_20 : memref<640x64xf32, #tpu.memory_space<vmem_shared>>) target_semaphore(%run_scoped3A : memref<!tpu.dma_semaphore, #tpu.memory_space<semaphore_mem>>)
      %dma_wait3A = arith.constant 0 : i32
      %dma_wait3A_21 = tpu.memref_slice %arg7[%mul3A_4, %dma_wait3A] : memref<10240x64xf32, #tpu.memory_space<vmem_shared>> -> memref<640x64xf32, #tpu.memory_space<vmem_shared>>
      %dma_wait3A_22 = arith.constant 0 : i32
      %dma_wait3A_23 = tpu.memref_slice %arg7[%mul3A_4, %dma_wait3A_22] : memref<10240x64xf32, #tpu.memory_space<vmem_shared>> -> memref<640x64xf32, #tpu.memory_space<vmem_shared>>
      tpu.wait_dma2 semaphore(%run_scoped3A : memref<!tpu.dma_semaphore, #tpu.memory_space<semaphore_mem>>) src(%arg11 : memref<640x64xf32, #tpu.memory_space<vmem>>) dst(%dma_wait3A_23 : memref<640x64xf32, #tpu.memory_space<vmem_shared>>)
      tpu.yield
    }) : () -> ()
    %mul3A_5 = arith.constant 80 : i32
    %mul3A_6 = arith.muli %add3A, %mul3A_5 : i32
    "tpu.region"() ({
      %run_scoped3A = tpu.sem_alloc : memref<!tpu.dma_semaphore, #tpu.memory_space<semaphore_mem>>
      %dma_start3A = arith.constant 0 : i32
      %dma_start3A_18 = tpu.memref_slice %arg3[%mul3A_6, %dma_start3A] : memref<2560x128xi32, #tpu.memory_space<hbm>> -> memref<80x128xi32, #tpu.memory_space<hbm>>
      %dma_start3A_19 = arith.constant 0 : i32
      %dma_start3A_20 = tpu.memref_slice %arg3[%mul3A_6, %dma_start3A_19] : memref<2560x128xi32, #tpu.memory_space<hbm>> -> memref<80x128xi32, #tpu.memory_space<hbm>>
      tpu.enqueue_dma source(%dma_start3A_20 : memref<80x128xi32, #tpu.memory_space<hbm>>) target(%arg8 : memref<80x128xi32, #tpu.memory_space<vmem>>) target_semaphore(%run_scoped3A : memref<!tpu.dma_semaphore, #tpu.memory_space<semaphore_mem>>)
      %dma_wait3A = arith.constant 0 : i32
      %dma_wait3A_21 = tpu.memref_slice %arg3[%mul3A_6, %dma_wait3A] : memref<2560x128xi32, #tpu.memory_space<hbm>> -> memref<80x128xi32, #tpu.memory_space<hbm>>
      %dma_wait3A_22 = arith.constant 0 : i32
      %dma_wait3A_23 = tpu.memref_slice %arg3[%mul3A_6, %dma_wait3A_22] : memref<2560x128xi32, #tpu.memory_space<hbm>> -> memref<80x128xi32, #tpu.memory_space<hbm>>
      tpu.wait_dma2 semaphore(%run_scoped3A : memref<!tpu.dma_semaphore, #tpu.memory_space<semaphore_mem>>) src(%dma_wait3A_23 : memref<80x128xi32, #tpu.memory_space<hbm>>) dst(%arg8 : memref<80x128xi32, #tpu.memory_space<vmem>>)
      tpu.yield
    }) : () -> ()
    %mul3A_7 = arith.constant 80 : i32
    %mul3A_8 = arith.muli %add3A, %mul3A_7 : i32
    "tpu.region"() ({
      %run_scoped3A = tpu.sem_alloc : memref<!tpu.dma_semaphore, #tpu.memory_space<semaphore_mem>>
      %dma_start3A = arith.constant 0 : i32
      %dma_start3A_18 = tpu.memref_slice %arg4[%mul3A_8, %dma_start3A] : memref<2560x128xi32, #tpu.memory_space<hbm>> -> memref<80x128xi32, #tpu.memory_space<hbm>>
      %dma_start3A_19 = arith.constant 0 : i32
      %dma_start3A_20 = tpu.memref_slice %arg4[%mul3A_8, %dma_start3A_19] : memref<2560x128xi32, #tpu.memory_space<hbm>> -> memref<80x128xi32, #tpu.memory_space<hbm>>
      tpu.enqueue_dma source(%dma_start3A_20 : memref<80x128xi32, #tpu.memory_space<hbm>>) target(%arg9 : memref<80x128xi32, #tpu.memory_space<vmem>>) target_semaphore(%run_scoped3A : memref<!tpu.dma_semaphore, #tpu.memory_space<semaphore_mem>>)
      %dma_wait3A = arith.constant 0 : i32
      %dma_wait3A_21 = tpu.memref_slice %arg4[%mul3A_8, %dma_wait3A] : memref<2560x128xi32, #tpu.memory_space<hbm>> -> memref<80x128xi32, #tpu.memory_space<hbm>>
      %dma_wait3A_22 = arith.constant 0 : i32
      %dma_wait3A_23 = tpu.memref_slice %arg4[%mul3A_8, %dma_wait3A_22] : memref<2560x128xi32, #tpu.memory_space<hbm>> -> memref<80x128xi32, #tpu.memory_space<hbm>>
      tpu.wait_dma2 semaphore(%run_scoped3A : memref<!tpu.dma_semaphore, #tpu.memory_space<semaphore_mem>>) src(%dma_wait3A_23 : memref<80x128xi32, #tpu.memory_space<hbm>>) dst(%arg9 : memref<80x128xi32, #tpu.memory_space<vmem>>)
      tpu.yield
    }) : () -> ()
    %barrier3A = arith.constant 0 : index
    tpu.barrier barrier_id(%barrier3A)
    %scan3A = arith.constant 0 : i32
    %scan3A_9 = arith.constant 80 : i32
    %scan3A_10 = arith.addi %scan3A, %scan3A_9 : i32
    %scan3A_11 = arith.constant 1 : i32
    scf.for %scan3A_18 = %scan3A to %scan3A_10 step %scan3A_11  : i32 {
      %mul3A_19 = arith.constant 1 : i32
      %mul3A_20 = arith.muli %scan3A_18, %mul3A_19 : i32
      %add3A_21 = arith.constant 0 : i32
      %add3A_22 = arith.addi %add3A_21, %mul3A_20 : i32
      %dma_start3A = arith.constant 0 : i32
      %dma_start3A_23 = tpu.memref_slice %arg8[%add3A_22, %dma_start3A] : memref<80x128xi32, #tpu.memory_space<vmem>> -> memref<1x128xi32, #tpu.memory_space<vmem>>
      %dma_start3A_24 = tpu.memref_squeeze %dma_start3A_23 : memref<1x128xi32, #tpu.memory_space<vmem>> -> memref<128xi32, #tpu.memory_space<vmem>>
      %dma_start3A_25 = arith.constant 0 : i32
      %dma_start3A_26 = arith.constant 0 : i32
      %dma_start3A_27 = tpu.memref_slice %arg2[%dma_start3A_25, %dma_start3A_26] : memref<10000x64xf32, #tpu.memory_space<hbm>> -> memref<10000x64xf32, #tpu.memory_space<hbm>>
      tpu.enqueue_indirect_dma source(%dma_start3A_27 : memref<10000x64xf32, #tpu.memory_space<hbm>>) target(%arg10 : memref<128x64xf32, #tpu.memory_space<vmem>>) offsets(%dma_start3A_24 : memref<128xi32, #tpu.memory_space<vmem>>) semaphore(%arg12 : memref<!tpu.dma_semaphore, #tpu.memory_space<semaphore_mem>>)
      %dma_wait3A = arith.constant 0 : i32
      %dma_wait3A_28 = tpu.memref_slice %arg8[%add3A_22, %dma_wait3A] : memref<80x128xi32, #tpu.memory_space<vmem>> -> memref<1x128xi32, #tpu.memory_space<vmem>>
      %dma_wait3A_29 = tpu.memref_squeeze %dma_wait3A_28 : memref<1x128xi32, #tpu.memory_space<vmem>> -> memref<128xi32, #tpu.memory_space<vmem>>
      %dma_wait3A_30 = arith.constant 0 : i32
      %dma_wait3A_31 = arith.constant 0 : i32
      %dma_wait3A_32 = tpu.memref_slice %arg2[%dma_wait3A_30, %dma_wait3A_31] : memref<10000x64xf32, #tpu.memory_space<hbm>> -> memref<10000x64xf32, #tpu.memory_space<hbm>>
      tpu.wait_indirect_dma semaphore(%arg12 : memref<!tpu.dma_semaphore, #tpu.memory_space<semaphore_mem>>) src(%dma_wait3A_32 : memref<10000x64xf32, #tpu.memory_space<hbm>>) dst(%arg10 : memref<128x64xf32, #tpu.memory_space<vmem>>)
      "tpu.region"() ({
        %run_scoped3A = tpu.sem_alloc : memref<!tpu.dma_semaphore, #tpu.memory_space<semaphore_mem>>
        %dma_start3A_33 = arith.constant 0 : i32
        %dma_start3A_34 = tpu.memref_slice %arg9[%add3A_22, %dma_start3A_33] : memref<80x128xi32, #tpu.memory_space<vmem>> -> memref<1x128xi32, #tpu.memory_space<vmem>>
        %dma_start3A_35 = tpu.memref_squeeze %dma_start3A_34 : memref<1x128xi32, #tpu.memory_space<vmem>> -> memref<128xi32, #tpu.memory_space<vmem>>
        %dma_start3A_36 = arith.constant 0 : i32
        %dma_start3A_37 = arith.constant 0 : i32
        %dma_start3A_38 = tpu.memref_slice %arg7[%dma_start3A_36, %dma_start3A_37] : memref<10240x64xf32, #tpu.memory_space<vmem_shared>> -> memref<10240x64xf32, #tpu.memory_space<vmem_shared>>
        tpu.enqueue_indirect_dma source(%arg10 : memref<128x64xf32, #tpu.memory_space<vmem>>) target(%dma_start3A_38 : memref<10240x64xf32, #tpu.memory_space<vmem_shared>>) offsets(%dma_start3A_35 : memref<128xi32, #tpu.memory_space<vmem>>) semaphore(%run_scoped3A : memref<!tpu.dma_semaphore, #tpu.memory_space<semaphore_mem>>) {add = true}
        %dma_wait3A_39 = arith.constant 0 : i32
        %dma_wait3A_40 = tpu.memref_slice %arg9[%add3A_22, %dma_wait3A_39] : memref<80x128xi32, #tpu.memory_space<vmem>> -> memref<1x128xi32, #tpu.memory_space<vmem>>
        %dma_wait3A_41 = tpu.memref_squeeze %dma_wait3A_40 : memref<1x128xi32, #tpu.memory_space<vmem>> -> memref<128xi32, #tpu.memory_space<vmem>>
        %dma_wait3A_42 = arith.constant 0 : i32
        %dma_wait3A_43 = arith.constant 0 : i32
        %dma_wait3A_44 = tpu.memref_slice %arg7[%dma_wait3A_42, %dma_wait3A_43] : memref<10240x64xf32, #tpu.memory_space<vmem_shared>> -> memref<10240x64xf32, #tpu.memory_space<vmem_shared>>
        tpu.wait_indirect_dma semaphore(%run_scoped3A : memref<!tpu.dma_semaphore, #tpu.memory_space<semaphore_mem>>) src(%arg10 : memref<128x64xf32, #tpu.memory_space<vmem>>) dst(%dma_wait3A_44 : memref<10240x64xf32, #tpu.memory_space<vmem_shared>>)
        tpu.yield
      }) : () -> ()
    }
    %scan3A_12 = arith.constant 80 : i32
    %barrier3A_13 = arith.constant 0 : index
    tpu.barrier barrier_id(%barrier3A_13)
    %mul3A_14 = arith.constant 640 : i32
    %mul3A_15 = arith.muli %arg1, %mul3A_14 : i32
    "tpu.region"() ({
      %run_scoped3A = tpu.sem_alloc : memref<!tpu.dma_semaphore, #tpu.memory_space<semaphore_mem>>
      %dma_start3A = arith.constant 0 : i32
      %dma_start3A_18 = tpu.memref_slice %arg7[%mul3A_15, %dma_start3A] : memref<10240x64xf32, #tpu.memory_space<vmem_shared>> -> memref<640x64xf32, #tpu.memory_space<vmem_shared>>
      %dma_start3A_19 = arith.constant 0 : i32
      %dma_start3A_20 = tpu.memref_slice %arg7[%mul3A_15, %dma_start3A_19] : memref<10240x64xf32, #tpu.memory_space<vmem_shared>> -> memref<640x64xf32, #tpu.memory_space<vmem_shared>>
      tpu.enqueue_dma source(%dma_start3A_20 : memref<640x64xf32, #tpu.memory_space<vmem_shared>>) target(%arg11 : memref<640x64xf32, #tpu.memory_space<vmem>>) target_semaphore(%run_scoped3A : memref<!tpu.dma_semaphore, #tpu.memory_space<semaphore_mem>>)
      %dma_wait3A = arith.constant 0 : i32
      %dma_wait3A_21 = tpu.memref_slice %arg7[%mul3A_15, %dma_wait3A] : memref<10240x64xf32, #tpu.memory_space<vmem_shared>> -> memref<640x64xf32, #tpu.memory_space<vmem_shared>>
      %dma_wait3A_22 = arith.constant 0 : i32
      %dma_wait3A_23 = tpu.memref_slice %arg7[%mul3A_15, %dma_wait3A_22] : memref<10240x64xf32, #tpu.memory_space<vmem_shared>> -> memref<640x64xf32, #tpu.memory_space<vmem_shared>>
      tpu.wait_dma2 semaphore(%run_scoped3A : memref<!tpu.dma_semaphore, #tpu.memory_space<semaphore_mem>>) src(%dma_wait3A_23 : memref<640x64xf32, #tpu.memory_space<vmem_shared>>) dst(%arg11 : memref<640x64xf32, #tpu.memory_space<vmem>>)
      tpu.yield
    }) : () -> ()
    %mul3A_16 = arith.constant 640 : i32
    %mul3A_17 = arith.muli %arg1, %mul3A_16 : i32
    "tpu.region"() ({
      %run_scoped3A = tpu.sem_alloc : memref<!tpu.dma_semaphore, #tpu.memory_space<semaphore_mem>>
      %dma_start3A = arith.constant 0 : i32
      %dma_start3A_18 = tpu.memref_slice %arg6[%arg0, %mul3A_17, %dma_start3A] : memref<2x10240x64xf32, #tpu.memory_space<hbm>> -> memref<1x640x64xf32, #tpu.memory_space<hbm>>
      %dma_start3A_19 = tpu.memref_squeeze %dma_start3A_18 : memref<1x640x64xf32, #tpu.memory_space<hbm>> -> memref<640x64xf32, #tpu.memory_space<hbm>>
      %dma_start3A_20 = arith.constant 0 : i32
      %dma_start3A_21 = tpu.memref_slice %arg6[%arg0, %mul3A_17, %dma_start3A_20] : memref<2x10240x64xf32, #tpu.memory_space<hbm>> -> memref<1x640x64xf32, #tpu.memory_space<hbm>>
      %dma_start3A_22 = tpu.memref_squeeze %dma_start3A_21 : memref<1x640x64xf32, #tpu.memory_space<hbm>> -> memref<640x64xf32, #tpu.memory_space<hbm>>
      tpu.enqueue_dma source(%arg11 : memref<640x64xf32, #tpu.memory_space<vmem>>) target(%dma_start3A_22 : memref<640x64xf32, #tpu.memory_space<hbm>>) target_semaphore(%run_scoped3A : memref<!tpu.dma_semaphore, #tpu.memory_space<semaphore_mem>>)
      %dma_wait3A = arith.constant 0 : i32
      %dma_wait3A_23 = tpu.memref_slice %arg6[%arg0, %mul3A_17, %dma_wait3A] : memref<2x10240x64xf32, #tpu.memory_space<hbm>> -> memref<1x640x64xf32, #tpu.memory_space<hbm>>
      %dma_wait3A_24 = tpu.memref_squeeze %dma_wait3A_23 : memref<1x640x64xf32, #tpu.memory_space<hbm>> -> memref<640x64xf32, #tpu.memory_space<hbm>>
      %dma_wait3A_25 = arith.constant 0 : i32
      %dma_wait3A_26 = tpu.memref_slice %arg6[%arg0, %mul3A_17, %dma_wait3A_25] : memref<2x10240x64xf32, #tpu.memory_space<hbm>> -> memref<1x640x64xf32, #tpu.memory_space<hbm>>
      %dma_wait3A_27 = tpu.memref_squeeze %dma_wait3A_26 : memref<1x640x64xf32, #tpu.memory_space<hbm>> -> memref<640x64xf32, #tpu.memory_space<hbm>>
      tpu.wait_dma2 semaphore(%run_scoped3A : memref<!tpu.dma_semaphore, #tpu.memory_space<semaphore_mem>>) src(%arg11 : memref<640x64xf32, #tpu.memory_space<vmem>>) dst(%dma_wait3A_27 : memref<640x64xf32, #tpu.memory_space<hbm>>)
      tpu.yield
    }) : () -> ()
    return
  }
}

#map = affine_map<(d0, d1) -> (0, 0)>
#map1 = affine_map<(d0, d1) -> (0, 0, 0)>
module attributes {stable_mosaic.version = 14 : i64} {
  func.func @_segsum_body(%arg0: i32, %arg1: i32, %arg2: memref<10000x64xf32, #tpu.memory_space<hbm>>, %arg3: memref<2560x128xi32, #tpu.memory_space<hbm>>, %arg4: memref<2560x128xi32, #tpu.memory_space<hbm>>, %arg5: memref<10240x64xf32, #tpu.memory_space<hbm>>, %arg6: memref<2x10240x64xf32, #tpu.memory_space<hbm>>, %arg7: memref<10240x64xf32, #tpu.memory_space<vmem_shared>>, %arg8: memref<80x128xi32, #tpu.memory_space<vmem>>, %arg9: memref<80x128xi32, #tpu.memory_space<vmem>>, %arg10: memref<128x64xf32, #tpu.memory_space<vmem>>, %arg11: memref<640x64xf32, #tpu.memory_space<vmem>>, %arg12: memref<!tpu.dma_semaphore, #tpu.memory_space<semaphore_mem>>) attributes {dimension_semantics = [#tpu.dimension_semantics<core_parallel>, #tpu.dimension_semantics<subcore_parallel>], iteration_bounds = array<i64: 2, 16>, scalar_prefetch = 0 : i64, scratch_operands = 6 : i64, tpu.core_type = #tpu.core_type<sc_vector_subcore>, window_params = [{transform_indices = #map}, {transform_indices = #map}, {transform_indices = #map}, {transform_indices = #map}, {transform_indices = #map1}]} {
    %mul3A = arith.constant 2 : i32
    %mul3A_0 = arith.muli %arg1, %mul3A : i32
    %add3A = arith.addi %mul3A_0, %arg0 : i32
    %mul3A_1 = arith.constant 640 : i32
    %mul3A_2 = arith.muli %arg1, %mul3A_1 : i32
    "tpu.region"() ({
      %run_scoped3A = tpu.sem_alloc : memref<!tpu.dma_semaphore, #tpu.memory_space<semaphore_mem>>
      %dma_start3A = arith.constant 0 : i32
      %dma_start3A_18 = tpu.memref_slice %arg5[%mul3A_2, %dma_start3A] : memref<10240x64xf32, #tpu.memory_space<hbm>> -> memref<640x64xf32, #tpu.memory_space<hbm>>
      %dma_start3A_19 = arith.constant 0 : i32
      %dma_start3A_20 = tpu.memref_slice %arg5[%mul3A_2, %dma_start3A_19] : memref<10240x64xf32, #tpu.memory_space<hbm>> -> memref<640x64xf32, #tpu.memory_space<hbm>>
      tpu.enqueue_dma source(%dma_start3A_20 : memref<640x64xf32, #tpu.memory_space<hbm>>) target(%arg11 : memref<640x64xf32, #tpu.memory_space<vmem>>) target_semaphore(%run_scoped3A : memref<!tpu.dma_semaphore, #tpu.memory_space<semaphore_mem>>)
      %dma_wait3A = arith.constant 0 : i32
      %dma_wait3A_21 = tpu.memref_slice %arg5[%mul3A_2, %dma_wait3A] : memref<10240x64xf32, #tpu.memory_space<hbm>> -> memref<640x64xf32, #tpu.memory_space<hbm>>
      %dma_wait3A_22 = arith.constant 0 : i32
      %dma_wait3A_23 = tpu.memref_slice %arg5[%mul3A_2, %dma_wait3A_22] : memref<10240x64xf32, #tpu.memory_space<hbm>> -> memref<640x64xf32, #tpu.memory_space<hbm>>
      tpu.wait_dma2 semaphore(%run_scoped3A : memref<!tpu.dma_semaphore, #tpu.memory_space<semaphore_mem>>) src(%dma_wait3A_23 : memref<640x64xf32, #tpu.memory_space<hbm>>) dst(%arg11 : memref<640x64xf32, #tpu.memory_space<vmem>>)
      tpu.yield
    }) : () -> ()
    %mul3A_3 = arith.constant 640 : i32
    %mul3A_4 = arith.muli %arg1, %mul3A_3 : i32
    "tpu.region"() ({
      %run_scoped3A = tpu.sem_alloc : memref<!tpu.dma_semaphore, #tpu.memory_space<semaphore_mem>>
      %dma_start3A = arith.constant 0 : i32
      %dma_start3A_18 = tpu.memref_slice %arg7[%mul3A_4, %dma_start3A] : memref<10240x64xf32, #tpu.memory_space<vmem_shared>> -> memref<640x64xf32, #tpu.memory_space<vmem_shared>>
      %dma_start3A_19 = arith.constant 0 : i32
      %dma_start3A_20 = tpu.memref_slice %arg7[%mul3A_4, %dma_start3A_19] : memref<10240x64xf32, #tpu.memory_space<vmem_shared>> -> memref<640x64xf32, #tpu.memory_space<vmem_shared>>
      tpu.enqueue_dma source(%arg11 : memref<640x64xf32, #tpu.memory_space<vmem>>) target(%dma_start3A_20 : memref<640x64xf32, #tpu.memory_space<vmem_shared>>) target_semaphore(%run_scoped3A : memref<!tpu.dma_semaphore, #tpu.memory_space<semaphore_mem>>)
      %dma_wait3A = arith.constant 0 : i32
      %dma_wait3A_21 = tpu.memref_slice %arg7[%mul3A_4, %dma_wait3A] : memref<10240x64xf32, #tpu.memory_space<vmem_shared>> -> memref<640x64xf32, #tpu.memory_space<vmem_shared>>
      %dma_wait3A_22 = arith.constant 0 : i32
      %dma_wait3A_23 = tpu.memref_slice %arg7[%mul3A_4, %dma_wait3A_22] : memref<10240x64xf32, #tpu.memory_space<vmem_shared>> -> memref<640x64xf32, #tpu.memory_space<vmem_shared>>
      tpu.wait_dma2 semaphore(%run_scoped3A : memref<!tpu.dma_semaphore, #tpu.memory_space<semaphore_mem>>) src(%arg11 : memref<640x64xf32, #tpu.memory_space<vmem>>) dst(%dma_wait3A_23 : memref<640x64xf32, #tpu.memory_space<vmem_shared>>)
      tpu.yield
    }) : () -> ()
    %mul3A_5 = arith.constant 80 : i32
    %mul3A_6 = arith.muli %add3A, %mul3A_5 : i32
    "tpu.region"() ({
      %run_scoped3A = tpu.sem_alloc : memref<!tpu.dma_semaphore, #tpu.memory_space<semaphore_mem>>
      %dma_start3A = arith.constant 0 : i32
      %dma_start3A_18 = tpu.memref_slice %arg3[%mul3A_6, %dma_start3A] : memref<2560x128xi32, #tpu.memory_space<hbm>> -> memref<80x128xi32, #tpu.memory_space<hbm>>
      %dma_start3A_19 = arith.constant 0 : i32
      %dma_start3A_20 = tpu.memref_slice %arg3[%mul3A_6, %dma_start3A_19] : memref<2560x128xi32, #tpu.memory_space<hbm>> -> memref<80x128xi32, #tpu.memory_space<hbm>>
      tpu.enqueue_dma source(%dma_start3A_20 : memref<80x128xi32, #tpu.memory_space<hbm>>) target(%arg8 : memref<80x128xi32, #tpu.memory_space<vmem>>) target_semaphore(%run_scoped3A : memref<!tpu.dma_semaphore, #tpu.memory_space<semaphore_mem>>)
      %dma_wait3A = arith.constant 0 : i32
      %dma_wait3A_21 = tpu.memref_slice %arg3[%mul3A_6, %dma_wait3A] : memref<2560x128xi32, #tpu.memory_space<hbm>> -> memref<80x128xi32, #tpu.memory_space<hbm>>
      %dma_wait3A_22 = arith.constant 0 : i32
      %dma_wait3A_23 = tpu.memref_slice %arg3[%mul3A_6, %dma_wait3A_22] : memref<2560x128xi32, #tpu.memory_space<hbm>> -> memref<80x128xi32, #tpu.memory_space<hbm>>
      tpu.wait_dma2 semaphore(%run_scoped3A : memref<!tpu.dma_semaphore, #tpu.memory_space<semaphore_mem>>) src(%dma_wait3A_23 : memref<80x128xi32, #tpu.memory_space<hbm>>) dst(%arg8 : memref<80x128xi32, #tpu.memory_space<vmem>>)
      tpu.yield
    }) : () -> ()
    %mul3A_7 = arith.constant 80 : i32
    %mul3A_8 = arith.muli %add3A, %mul3A_7 : i32
    "tpu.region"() ({
      %run_scoped3A = tpu.sem_alloc : memref<!tpu.dma_semaphore, #tpu.memory_space<semaphore_mem>>
      %dma_start3A = arith.constant 0 : i32
      %dma_start3A_18 = tpu.memref_slice %arg4[%mul3A_8, %dma_start3A] : memref<2560x128xi32, #tpu.memory_space<hbm>> -> memref<80x128xi32, #tpu.memory_space<hbm>>
      %dma_start3A_19 = arith.constant 0 : i32
      %dma_start3A_20 = tpu.memref_slice %arg4[%mul3A_8, %dma_start3A_19] : memref<2560x128xi32, #tpu.memory_space<hbm>> -> memref<80x128xi32, #tpu.memory_space<hbm>>
      tpu.enqueue_dma source(%dma_start3A_20 : memref<80x128xi32, #tpu.memory_space<hbm>>) target(%arg9 : memref<80x128xi32, #tpu.memory_space<vmem>>) target_semaphore(%run_scoped3A : memref<!tpu.dma_semaphore, #tpu.memory_space<semaphore_mem>>)
      %dma_wait3A = arith.constant 0 : i32
      %dma_wait3A_21 = tpu.memref_slice %arg4[%mul3A_8, %dma_wait3A] : memref<2560x128xi32, #tpu.memory_space<hbm>> -> memref<80x128xi32, #tpu.memory_space<hbm>>
      %dma_wait3A_22 = arith.constant 0 : i32
      %dma_wait3A_23 = tpu.memref_slice %arg4[%mul3A_8, %dma_wait3A_22] : memref<2560x128xi32, #tpu.memory_space<hbm>> -> memref<80x128xi32, #tpu.memory_space<hbm>>
      tpu.wait_dma2 semaphore(%run_scoped3A : memref<!tpu.dma_semaphore, #tpu.memory_space<semaphore_mem>>) src(%dma_wait3A_23 : memref<80x128xi32, #tpu.memory_space<hbm>>) dst(%arg9 : memref<80x128xi32, #tpu.memory_space<vmem>>)
      tpu.yield
    }) : () -> ()
    %barrier3A = arith.constant 0 : index
    tpu.barrier barrier_id(%barrier3A)
    %scan3A = arith.constant 0 : i32
    %scan3A_9 = arith.constant 80 : i32
    %scan3A_10 = arith.addi %scan3A, %scan3A_9 : i32
    %scan3A_11 = arith.constant 1 : i32
    scf.for %scan3A_18 = %scan3A to %scan3A_10 step %scan3A_11  : i32 {
      %mul3A_19 = arith.constant 1 : i32
      %mul3A_20 = arith.muli %scan3A_18, %mul3A_19 : i32
      %add3A_21 = arith.constant 0 : i32
      %add3A_22 = arith.addi %add3A_21, %mul3A_20 : i32
      %dma_start3A = arith.constant 0 : i32
      %dma_start3A_23 = tpu.memref_slice %arg8[%add3A_22, %dma_start3A] : memref<80x128xi32, #tpu.memory_space<vmem>> -> memref<1x128xi32, #tpu.memory_space<vmem>>
      %dma_start3A_24 = tpu.memref_squeeze %dma_start3A_23 : memref<1x128xi32, #tpu.memory_space<vmem>> -> memref<128xi32, #tpu.memory_space<vmem>>
      %dma_start3A_25 = arith.constant 0 : i32
      %dma_start3A_26 = arith.constant 0 : i32
      %dma_start3A_27 = tpu.memref_slice %arg2[%dma_start3A_25, %dma_start3A_26] : memref<10000x64xf32, #tpu.memory_space<hbm>> -> memref<10000x64xf32, #tpu.memory_space<hbm>>
      tpu.enqueue_indirect_dma source(%dma_start3A_27 : memref<10000x64xf32, #tpu.memory_space<hbm>>) target(%arg10 : memref<128x64xf32, #tpu.memory_space<vmem>>) offsets(%dma_start3A_24 : memref<128xi32, #tpu.memory_space<vmem>>) semaphore(%arg12 : memref<!tpu.dma_semaphore, #tpu.memory_space<semaphore_mem>>)
      %dma_wait3A = arith.constant 0 : i32
      %dma_wait3A_28 = tpu.memref_slice %arg8[%add3A_22, %dma_wait3A] : memref<80x128xi32, #tpu.memory_space<vmem>> -> memref<1x128xi32, #tpu.memory_space<vmem>>
      %dma_wait3A_29 = tpu.memref_squeeze %dma_wait3A_28 : memref<1x128xi32, #tpu.memory_space<vmem>> -> memref<128xi32, #tpu.memory_space<vmem>>
      %dma_wait3A_30 = arith.constant 0 : i32
      %dma_wait3A_31 = arith.constant 0 : i32
      %dma_wait3A_32 = tpu.memref_slice %arg2[%dma_wait3A_30, %dma_wait3A_31] : memref<10000x64xf32, #tpu.memory_space<hbm>> -> memref<10000x64xf32, #tpu.memory_space<hbm>>
      tpu.wait_indirect_dma semaphore(%arg12 : memref<!tpu.dma_semaphore, #tpu.memory_space<semaphore_mem>>) src(%dma_wait3A_32 : memref<10000x64xf32, #tpu.memory_space<hbm>>) dst(%arg10 : memref<128x64xf32, #tpu.memory_space<vmem>>)
      "tpu.region"() ({
        %run_scoped3A = tpu.sem_alloc : memref<!tpu.dma_semaphore, #tpu.memory_space<semaphore_mem>>
        %dma_start3A_33 = arith.constant 0 : i32
        %dma_start3A_34 = tpu.memref_slice %arg9[%add3A_22, %dma_start3A_33] : memref<80x128xi32, #tpu.memory_space<vmem>> -> memref<1x128xi32, #tpu.memory_space<vmem>>
        %dma_start3A_35 = tpu.memref_squeeze %dma_start3A_34 : memref<1x128xi32, #tpu.memory_space<vmem>> -> memref<128xi32, #tpu.memory_space<vmem>>
        %dma_start3A_36 = arith.constant 0 : i32
        %dma_start3A_37 = arith.constant 0 : i32
        %dma_start3A_38 = tpu.memref_slice %arg7[%dma_start3A_36, %dma_start3A_37] : memref<10240x64xf32, #tpu.memory_space<vmem_shared>> -> memref<10240x64xf32, #tpu.memory_space<vmem_shared>>
        tpu.enqueue_indirect_dma source(%arg10 : memref<128x64xf32, #tpu.memory_space<vmem>>) target(%dma_start3A_38 : memref<10240x64xf32, #tpu.memory_space<vmem_shared>>) offsets(%dma_start3A_35 : memref<128xi32, #tpu.memory_space<vmem>>) semaphore(%run_scoped3A : memref<!tpu.dma_semaphore, #tpu.memory_space<semaphore_mem>>) {add = true}
        %dma_wait3A_39 = arith.constant 0 : i32
        %dma_wait3A_40 = tpu.memref_slice %arg9[%add3A_22, %dma_wait3A_39] : memref<80x128xi32, #tpu.memory_space<vmem>> -> memref<1x128xi32, #tpu.memory_space<vmem>>
        %dma_wait3A_41 = tpu.memref_squeeze %dma_wait3A_40 : memref<1x128xi32, #tpu.memory_space<vmem>> -> memref<128xi32, #tpu.memory_space<vmem>>
        %dma_wait3A_42 = arith.constant 0 : i32
        %dma_wait3A_43 = arith.constant 0 : i32
        %dma_wait3A_44 = tpu.memref_slice %arg7[%dma_wait3A_42, %dma_wait3A_43] : memref<10240x64xf32, #tpu.memory_space<vmem_shared>> -> memref<10240x64xf32, #tpu.memory_space<vmem_shared>>
        tpu.wait_indirect_dma semaphore(%run_scoped3A : memref<!tpu.dma_semaphore, #tpu.memory_space<semaphore_mem>>) src(%arg10 : memref<128x64xf32, #tpu.memory_space<vmem>>) dst(%dma_wait3A_44 : memref<10240x64xf32, #tpu.memory_space<vmem_shared>>)
        tpu.yield
      }) : () -> ()
    }
    %scan3A_12 = arith.constant 80 : i32
    %barrier3A_13 = arith.constant 0 : index
    tpu.barrier barrier_id(%barrier3A_13)
    %mul3A_14 = arith.constant 640 : i32
    %mul3A_15 = arith.muli %arg1, %mul3A_14 : i32
    "tpu.region"() ({
      %run_scoped3A = tpu.sem_alloc : memref<!tpu.dma_semaphore, #tpu.memory_space<semaphore_mem>>
      %dma_start3A = arith.constant 0 : i32
      %dma_start3A_18 = tpu.memref_slice %arg7[%mul3A_15, %dma_start3A] : memref<10240x64xf32, #tpu.memory_space<vmem_shared>> -> memref<640x64xf32, #tpu.memory_space<vmem_shared>>
      %dma_start3A_19 = arith.constant 0 : i32
      %dma_start3A_20 = tpu.memref_slice %arg7[%mul3A_15, %dma_start3A_19] : memref<10240x64xf32, #tpu.memory_space<vmem_shared>> -> memref<640x64xf32, #tpu.memory_space<vmem_shared>>
      tpu.enqueue_dma source(%dma_start3A_20 : memref<640x64xf32, #tpu.memory_space<vmem_shared>>) target(%arg11 : memref<640x64xf32, #tpu.memory_space<vmem>>) target_semaphore(%run_scoped3A : memref<!tpu.dma_semaphore, #tpu.memory_space<semaphore_mem>>)
      %dma_wait3A = arith.constant 0 : i32
      %dma_wait3A_21 = tpu.memref_slice %arg7[%mul3A_15, %dma_wait3A] : memref<10240x64xf32, #tpu.memory_space<vmem_shared>> -> memref<640x64xf32, #tpu.memory_space<vmem_shared>>
      %dma_wait3A_22 = arith.constant 0 : i32
      %dma_wait3A_23 = tpu.memref_slice %arg7[%mul3A_15, %dma_wait3A_22] : memref<10240x64xf32, #tpu.memory_space<vmem_shared>> -> memref<640x64xf32, #tpu.memory_space<vmem_shared>>
      tpu.wait_dma2 semaphore(%run_scoped3A : memref<!tpu.dma_semaphore, #tpu.memory_space<semaphore_mem>>) src(%dma_wait3A_23 : memref<640x64xf32, #tpu.memory_space<vmem_shared>>) dst(%arg11 : memref<640x64xf32, #tpu.memory_space<vmem>>)
      tpu.yield
    }) : () -> ()
    %mul3A_16 = arith.constant 640 : i32
    %mul3A_17 = arith.muli %arg1, %mul3A_16 : i32
    "tpu.region"() ({
      %run_scoped3A = tpu.sem_alloc : memref<!tpu.dma_semaphore, #tpu.memory_space<semaphore_mem>>
      %dma_start3A = arith.constant 0 : i32
      %dma_start3A_18 = tpu.memref_slice %arg6[%arg0, %mul3A_17, %dma_start3A] : memref<2x10240x64xf32, #tpu.memory_space<hbm>> -> memref<1x640x64xf32, #tpu.memory_space<hbm>>
      %dma_start3A_19 = tpu.memref_squeeze %dma_start3A_18 : memref<1x640x64xf32, #tpu.memory_space<hbm>> -> memref<640x64xf32, #tpu.memory_space<hbm>>
      %dma_start3A_20 = arith.constant 0 : i32
      %dma_start3A_21 = tpu.memref_slice %arg6[%arg0, %mul3A_17, %dma_start3A_20] : memref<2x10240x64xf32, #tpu.memory_space<hbm>> -> memref<1x640x64xf32, #tpu.memory_space<hbm>>
      %dma_start3A_22 = tpu.memref_squeeze %dma_start3A_21 : memref<1x640x64xf32, #tpu.memory_space<hbm>> -> memref<640x64xf32, #tpu.memory_space<hbm>>
      tpu.enqueue_dma source(%arg11 : memref<640x64xf32, #tpu.memory_space<vmem>>) target(%dma_start3A_22 : memref<640x64xf32, #tpu.memory_space<hbm>>) target_semaphore(%run_scoped3A : memref<!tpu.dma_semaphore, #tpu.memory_space<semaphore_mem>>)
      %dma_wait3A = arith.constant 0 : i32
      %dma_wait3A_23 = tpu.memref_slice %arg6[%arg0, %mul3A_17, %dma_wait3A] : memref<2x10240x64xf32, #tpu.memory_space<hbm>> -> memref<1x640x64xf32, #tpu.memory_space<hbm>>
      %dma_wait3A_24 = tpu.memref_squeeze %dma_wait3A_23 : memref<1x640x64xf32, #tpu.memory_space<hbm>> -> memref<640x64xf32, #tpu.memory_space<hbm>>
      %dma_wait3A_25 = arith.constant 0 : i32
      %dma_wait3A_26 = tpu.memref_slice %arg6[%arg0, %mul3A_17, %dma_wait3A_25] : memref<2x10240x64xf32, #tpu.memory_space<hbm>> -> memref<1x640x64xf32, #tpu.memory_space<hbm>>
      %dma_wait3A_27 = tpu.memref_squeeze %dma_wait3A_26 : memref<1x640x64xf32, #tpu.memory_space<hbm>> -> memref<640x64xf32, #tpu.memory_space<hbm>>
      tpu.wait_dma2 semaphore(%run_scoped3A : memref<!tpu.dma_semaphore, #tpu.memory_space<semaphore_mem>>) src(%arg11 : memref<640x64xf32, #tpu.memory_space<vmem>>) dst(%dma_wait3A_27 : memref<640x64xf32, #tpu.memory_space<hbm>>)
      tpu.yield
    }) : () -> ()
    return
  }
}

#map = affine_map<(d0, d1) -> (0, 0)>
#map1 = affine_map<(d0, d1) -> (0, 0, 0)>
module attributes {stable_mosaic.version = 14 : i64} {
  func.func @_segsum_body(%arg0: i32, %arg1: i32, %arg2: memref<10000x64xf32, #tpu.memory_space<hbm>>, %arg3: memref<2560x128xi32, #tpu.memory_space<hbm>>, %arg4: memref<2560x128xi32, #tpu.memory_space<hbm>>, %arg5: memref<10240x64xf32, #tpu.memory_space<hbm>>, %arg6: memref<2x10240x64xf32, #tpu.memory_space<hbm>>, %arg7: memref<10240x64xf32, #tpu.memory_space<vmem_shared>>, %arg8: memref<80x128xi32, #tpu.memory_space<vmem>>, %arg9: memref<80x128xi32, #tpu.memory_space<vmem>>, %arg10: memref<128x64xf32, #tpu.memory_space<vmem>>, %arg11: memref<640x64xf32, #tpu.memory_space<vmem>>, %arg12: memref<!tpu.dma_semaphore, #tpu.memory_space<semaphore_mem>>) attributes {dimension_semantics = [#tpu.dimension_semantics<core_parallel>, #tpu.dimension_semantics<subcore_parallel>], iteration_bounds = array<i64: 2, 16>, scalar_prefetch = 0 : i64, scratch_operands = 6 : i64, tpu.core_type = #tpu.core_type<sc_vector_subcore>, window_params = [{transform_indices = #map}, {transform_indices = #map}, {transform_indices = #map}, {transform_indices = #map}, {transform_indices = #map1}]} {
    %mul3A = arith.constant 2 : i32
    %mul3A_0 = arith.muli %arg1, %mul3A : i32
    %add3A = arith.addi %mul3A_0, %arg0 : i32
    %mul3A_1 = arith.constant 640 : i32
    %mul3A_2 = arith.muli %arg1, %mul3A_1 : i32
    "tpu.region"() ({
      %run_scoped3A = tpu.sem_alloc : memref<!tpu.dma_semaphore, #tpu.memory_space<semaphore_mem>>
      %dma_start3A = arith.constant 0 : i32
      %dma_start3A_18 = tpu.memref_slice %arg5[%mul3A_2, %dma_start3A] : memref<10240x64xf32, #tpu.memory_space<hbm>> -> memref<640x64xf32, #tpu.memory_space<hbm>>
      %dma_start3A_19 = arith.constant 0 : i32
      %dma_start3A_20 = tpu.memref_slice %arg5[%mul3A_2, %dma_start3A_19] : memref<10240x64xf32, #tpu.memory_space<hbm>> -> memref<640x64xf32, #tpu.memory_space<hbm>>
      tpu.enqueue_dma source(%dma_start3A_20 : memref<640x64xf32, #tpu.memory_space<hbm>>) target(%arg11 : memref<640x64xf32, #tpu.memory_space<vmem>>) target_semaphore(%run_scoped3A : memref<!tpu.dma_semaphore, #tpu.memory_space<semaphore_mem>>)
      %dma_wait3A = arith.constant 0 : i32
      %dma_wait3A_21 = tpu.memref_slice %arg5[%mul3A_2, %dma_wait3A] : memref<10240x64xf32, #tpu.memory_space<hbm>> -> memref<640x64xf32, #tpu.memory_space<hbm>>
      %dma_wait3A_22 = arith.constant 0 : i32
      %dma_wait3A_23 = tpu.memref_slice %arg5[%mul3A_2, %dma_wait3A_22] : memref<10240x64xf32, #tpu.memory_space<hbm>> -> memref<640x64xf32, #tpu.memory_space<hbm>>
      tpu.wait_dma2 semaphore(%run_scoped3A : memref<!tpu.dma_semaphore, #tpu.memory_space<semaphore_mem>>) src(%dma_wait3A_23 : memref<640x64xf32, #tpu.memory_space<hbm>>) dst(%arg11 : memref<640x64xf32, #tpu.memory_space<vmem>>)
      tpu.yield
    }) : () -> ()
    %mul3A_3 = arith.constant 640 : i32
    %mul3A_4 = arith.muli %arg1, %mul3A_3 : i32
    "tpu.region"() ({
      %run_scoped3A = tpu.sem_alloc : memref<!tpu.dma_semaphore, #tpu.memory_space<semaphore_mem>>
      %dma_start3A = arith.constant 0 : i32
      %dma_start3A_18 = tpu.memref_slice %arg7[%mul3A_4, %dma_start3A] : memref<10240x64xf32, #tpu.memory_space<vmem_shared>> -> memref<640x64xf32, #tpu.memory_space<vmem_shared>>
      %dma_start3A_19 = arith.constant 0 : i32
      %dma_start3A_20 = tpu.memref_slice %arg7[%mul3A_4, %dma_start3A_19] : memref<10240x64xf32, #tpu.memory_space<vmem_shared>> -> memref<640x64xf32, #tpu.memory_space<vmem_shared>>
      tpu.enqueue_dma source(%arg11 : memref<640x64xf32, #tpu.memory_space<vmem>>) target(%dma_start3A_20 : memref<640x64xf32, #tpu.memory_space<vmem_shared>>) target_semaphore(%run_scoped3A : memref<!tpu.dma_semaphore, #tpu.memory_space<semaphore_mem>>)
      %dma_wait3A = arith.constant 0 : i32
      %dma_wait3A_21 = tpu.memref_slice %arg7[%mul3A_4, %dma_wait3A] : memref<10240x64xf32, #tpu.memory_space<vmem_shared>> -> memref<640x64xf32, #tpu.memory_space<vmem_shared>>
      %dma_wait3A_22 = arith.constant 0 : i32
      %dma_wait3A_23 = tpu.memref_slice %arg7[%mul3A_4, %dma_wait3A_22] : memref<10240x64xf32, #tpu.memory_space<vmem_shared>> -> memref<640x64xf32, #tpu.memory_space<vmem_shared>>
      tpu.wait_dma2 semaphore(%run_scoped3A : memref<!tpu.dma_semaphore, #tpu.memory_space<semaphore_mem>>) src(%arg11 : memref<640x64xf32, #tpu.memory_space<vmem>>) dst(%dma_wait3A_23 : memref<640x64xf32, #tpu.memory_space<vmem_shared>>)
      tpu.yield
    }) : () -> ()
    %mul3A_5 = arith.constant 80 : i32
    %mul3A_6 = arith.muli %add3A, %mul3A_5 : i32
    "tpu.region"() ({
      %run_scoped3A = tpu.sem_alloc : memref<!tpu.dma_semaphore, #tpu.memory_space<semaphore_mem>>
      %dma_start3A = arith.constant 0 : i32
      %dma_start3A_18 = tpu.memref_slice %arg3[%mul3A_6, %dma_start3A] : memref<2560x128xi32, #tpu.memory_space<hbm>> -> memref<80x128xi32, #tpu.memory_space<hbm>>
      %dma_start3A_19 = arith.constant 0 : i32
      %dma_start3A_20 = tpu.memref_slice %arg3[%mul3A_6, %dma_start3A_19] : memref<2560x128xi32, #tpu.memory_space<hbm>> -> memref<80x128xi32, #tpu.memory_space<hbm>>
      tpu.enqueue_dma source(%dma_start3A_20 : memref<80x128xi32, #tpu.memory_space<hbm>>) target(%arg8 : memref<80x128xi32, #tpu.memory_space<vmem>>) target_semaphore(%run_scoped3A : memref<!tpu.dma_semaphore, #tpu.memory_space<semaphore_mem>>)
      %dma_wait3A = arith.constant 0 : i32
      %dma_wait3A_21 = tpu.memref_slice %arg3[%mul3A_6, %dma_wait3A] : memref<2560x128xi32, #tpu.memory_space<hbm>> -> memref<80x128xi32, #tpu.memory_space<hbm>>
      %dma_wait3A_22 = arith.constant 0 : i32
      %dma_wait3A_23 = tpu.memref_slice %arg3[%mul3A_6, %dma_wait3A_22] : memref<2560x128xi32, #tpu.memory_space<hbm>> -> memref<80x128xi32, #tpu.memory_space<hbm>>
      tpu.wait_dma2 semaphore(%run_scoped3A : memref<!tpu.dma_semaphore, #tpu.memory_space<semaphore_mem>>) src(%dma_wait3A_23 : memref<80x128xi32, #tpu.memory_space<hbm>>) dst(%arg8 : memref<80x128xi32, #tpu.memory_space<vmem>>)
      tpu.yield
    }) : () -> ()
    %mul3A_7 = arith.constant 80 : i32
    %mul3A_8 = arith.muli %add3A, %mul3A_7 : i32
    "tpu.region"() ({
      %run_scoped3A = tpu.sem_alloc : memref<!tpu.dma_semaphore, #tpu.memory_space<semaphore_mem>>
      %dma_start3A = arith.constant 0 : i32
      %dma_start3A_18 = tpu.memref_slice %arg4[%mul3A_8, %dma_start3A] : memref<2560x128xi32, #tpu.memory_space<hbm>> -> memref<80x128xi32, #tpu.memory_space<hbm>>
      %dma_start3A_19 = arith.constant 0 : i32
      %dma_start3A_20 = tpu.memref_slice %arg4[%mul3A_8, %dma_start3A_19] : memref<2560x128xi32, #tpu.memory_space<hbm>> -> memref<80x128xi32, #tpu.memory_space<hbm>>
      tpu.enqueue_dma source(%dma_start3A_20 : memref<80x128xi32, #tpu.memory_space<hbm>>) target(%arg9 : memref<80x128xi32, #tpu.memory_space<vmem>>) target_semaphore(%run_scoped3A : memref<!tpu.dma_semaphore, #tpu.memory_space<semaphore_mem>>)
      %dma_wait3A = arith.constant 0 : i32
      %dma_wait3A_21 = tpu.memref_slice %arg4[%mul3A_8, %dma_wait3A] : memref<2560x128xi32, #tpu.memory_space<hbm>> -> memref<80x128xi32, #tpu.memory_space<hbm>>
      %dma_wait3A_22 = arith.constant 0 : i32
      %dma_wait3A_23 = tpu.memref_slice %arg4[%mul3A_8, %dma_wait3A_22] : memref<2560x128xi32, #tpu.memory_space<hbm>> -> memref<80x128xi32, #tpu.memory_space<hbm>>
      tpu.wait_dma2 semaphore(%run_scoped3A : memref<!tpu.dma_semaphore, #tpu.memory_space<semaphore_mem>>) src(%dma_wait3A_23 : memref<80x128xi32, #tpu.memory_space<hbm>>) dst(%arg9 : memref<80x128xi32, #tpu.memory_space<vmem>>)
      tpu.yield
    }) : () -> ()
    %barrier3A = arith.constant 0 : index
    tpu.barrier barrier_id(%barrier3A)
    %scan3A = arith.constant 0 : i32
    %scan3A_9 = arith.constant 80 : i32
    %scan3A_10 = arith.addi %scan3A, %scan3A_9 : i32
    %scan3A_11 = arith.constant 1 : i32
    scf.for %scan3A_18 = %scan3A to %scan3A_10 step %scan3A_11  : i32 {
      %mul3A_19 = arith.constant 1 : i32
      %mul3A_20 = arith.muli %scan3A_18, %mul3A_19 : i32
      %add3A_21 = arith.constant 0 : i32
      %add3A_22 = arith.addi %add3A_21, %mul3A_20 : i32
      %dma_start3A = arith.constant 0 : i32
      %dma_start3A_23 = tpu.memref_slice %arg8[%add3A_22, %dma_start3A] : memref<80x128xi32, #tpu.memory_space<vmem>> -> memref<1x128xi32, #tpu.memory_space<vmem>>
      %dma_start3A_24 = tpu.memref_squeeze %dma_start3A_23 : memref<1x128xi32, #tpu.memory_space<vmem>> -> memref<128xi32, #tpu.memory_space<vmem>>
      %dma_start3A_25 = arith.constant 0 : i32
      %dma_start3A_26 = arith.constant 0 : i32
      %dma_start3A_27 = tpu.memref_slice %arg2[%dma_start3A_25, %dma_start3A_26] : memref<10000x64xf32, #tpu.memory_space<hbm>> -> memref<10000x64xf32, #tpu.memory_space<hbm>>
      tpu.enqueue_indirect_dma source(%dma_start3A_27 : memref<10000x64xf32, #tpu.memory_space<hbm>>) target(%arg10 : memref<128x64xf32, #tpu.memory_space<vmem>>) offsets(%dma_start3A_24 : memref<128xi32, #tpu.memory_space<vmem>>) semaphore(%arg12 : memref<!tpu.dma_semaphore, #tpu.memory_space<semaphore_mem>>)
      %dma_wait3A = arith.constant 0 : i32
      %dma_wait3A_28 = tpu.memref_slice %arg8[%add3A_22, %dma_wait3A] : memref<80x128xi32, #tpu.memory_space<vmem>> -> memref<1x128xi32, #tpu.memory_space<vmem>>
      %dma_wait3A_29 = tpu.memref_squeeze %dma_wait3A_28 : memref<1x128xi32, #tpu.memory_space<vmem>> -> memref<128xi32, #tpu.memory_space<vmem>>
      %dma_wait3A_30 = arith.constant 0 : i32
      %dma_wait3A_31 = arith.constant 0 : i32
      %dma_wait3A_32 = tpu.memref_slice %arg2[%dma_wait3A_30, %dma_wait3A_31] : memref<10000x64xf32, #tpu.memory_space<hbm>> -> memref<10000x64xf32, #tpu.memory_space<hbm>>
      tpu.wait_indirect_dma semaphore(%arg12 : memref<!tpu.dma_semaphore, #tpu.memory_space<semaphore_mem>>) src(%dma_wait3A_32 : memref<10000x64xf32, #tpu.memory_space<hbm>>) dst(%arg10 : memref<128x64xf32, #tpu.memory_space<vmem>>)
      "tpu.region"() ({
        %run_scoped3A = tpu.sem_alloc : memref<!tpu.dma_semaphore, #tpu.memory_space<semaphore_mem>>
        %dma_start3A_33 = arith.constant 0 : i32
        %dma_start3A_34 = tpu.memref_slice %arg9[%add3A_22, %dma_start3A_33] : memref<80x128xi32, #tpu.memory_space<vmem>> -> memref<1x128xi32, #tpu.memory_space<vmem>>
        %dma_start3A_35 = tpu.memref_squeeze %dma_start3A_34 : memref<1x128xi32, #tpu.memory_space<vmem>> -> memref<128xi32, #tpu.memory_space<vmem>>
        %dma_start3A_36 = arith.constant 0 : i32
        %dma_start3A_37 = arith.constant 0 : i32
        %dma_start3A_38 = tpu.memref_slice %arg7[%dma_start3A_36, %dma_start3A_37] : memref<10240x64xf32, #tpu.memory_space<vmem_shared>> -> memref<10240x64xf32, #tpu.memory_space<vmem_shared>>
        tpu.enqueue_indirect_dma source(%arg10 : memref<128x64xf32, #tpu.memory_space<vmem>>) target(%dma_start3A_38 : memref<10240x64xf32, #tpu.memory_space<vmem_shared>>) offsets(%dma_start3A_35 : memref<128xi32, #tpu.memory_space<vmem>>) semaphore(%run_scoped3A : memref<!tpu.dma_semaphore, #tpu.memory_space<semaphore_mem>>) {add = true}
        %dma_wait3A_39 = arith.constant 0 : i32
        %dma_wait3A_40 = tpu.memref_slice %arg9[%add3A_22, %dma_wait3A_39] : memref<80x128xi32, #tpu.memory_space<vmem>> -> memref<1x128xi32, #tpu.memory_space<vmem>>
        %dma_wait3A_41 = tpu.memref_squeeze %dma_wait3A_40 : memref<1x128xi32, #tpu.memory_space<vmem>> -> memref<128xi32, #tpu.memory_space<vmem>>
        %dma_wait3A_42 = arith.constant 0 : i32
        %dma_wait3A_43 = arith.constant 0 : i32
        %dma_wait3A_44 = tpu.memref_slice %arg7[%dma_wait3A_42, %dma_wait3A_43] : memref<10240x64xf32, #tpu.memory_space<vmem_shared>> -> memref<10240x64xf32, #tpu.memory_space<vmem_shared>>
        tpu.wait_indirect_dma semaphore(%run_scoped3A : memref<!tpu.dma_semaphore, #tpu.memory_space<semaphore_mem>>) src(%arg10 : memref<128x64xf32, #tpu.memory_space<vmem>>) dst(%dma_wait3A_44 : memref<10240x64xf32, #tpu.memory_space<vmem_shared>>)
        tpu.yield
      }) : () -> ()
    }
    %scan3A_12 = arith.constant 80 : i32
    %barrier3A_13 = arith.constant 0 : index
    tpu.barrier barrier_id(%barrier3A_13)
    %mul3A_14 = arith.constant 640 : i32
    %mul3A_15 = arith.muli %arg1, %mul3A_14 : i32
    "tpu.region"() ({
      %run_scoped3A = tpu.sem_alloc : memref<!tpu.dma_semaphore, #tpu.memory_space<semaphore_mem>>
      %dma_start3A = arith.constant 0 : i32
      %dma_start3A_18 = tpu.memref_slice %arg7[%mul3A_15, %dma_start3A] : memref<10240x64xf32, #tpu.memory_space<vmem_shared>> -> memref<640x64xf32, #tpu.memory_space<vmem_shared>>
      %dma_start3A_19 = arith.constant 0 : i32
      %dma_start3A_20 = tpu.memref_slice %arg7[%mul3A_15, %dma_start3A_19] : memref<10240x64xf32, #tpu.memory_space<vmem_shared>> -> memref<640x64xf32, #tpu.memory_space<vmem_shared>>
      tpu.enqueue_dma source(%dma_start3A_20 : memref<640x64xf32, #tpu.memory_space<vmem_shared>>) target(%arg11 : memref<640x64xf32, #tpu.memory_space<vmem>>) target_semaphore(%run_scoped3A : memref<!tpu.dma_semaphore, #tpu.memory_space<semaphore_mem>>)
      %dma_wait3A = arith.constant 0 : i32
      %dma_wait3A_21 = tpu.memref_slice %arg7[%mul3A_15, %dma_wait3A] : memref<10240x64xf32, #tpu.memory_space<vmem_shared>> -> memref<640x64xf32, #tpu.memory_space<vmem_shared>>
      %dma_wait3A_22 = arith.constant 0 : i32
      %dma_wait3A_23 = tpu.memref_slice %arg7[%mul3A_15, %dma_wait3A_22] : memref<10240x64xf32, #tpu.memory_space<vmem_shared>> -> memref<640x64xf32, #tpu.memory_space<vmem_shared>>
      tpu.wait_dma2 semaphore(%run_scoped3A : memref<!tpu.dma_semaphore, #tpu.memory_space<semaphore_mem>>) src(%dma_wait3A_23 : memref<640x64xf32, #tpu.memory_space<vmem_shared>>) dst(%arg11 : memref<640x64xf32, #tpu.memory_space<vmem>>)
      tpu.yield
    }) : () -> ()
    %mul3A_16 = arith.constant 640 : i32
    %mul3A_17 = arith.muli %arg1, %mul3A_16 : i32
    "tpu.region"() ({
      %run_scoped3A = tpu.sem_alloc : memref<!tpu.dma_semaphore, #tpu.memory_space<semaphore_mem>>
      %dma_start3A = arith.constant 0 : i32
      %dma_start3A_18 = tpu.memref_slice %arg6[%arg0, %mul3A_17, %dma_start3A] : memref<2x10240x64xf32, #tpu.memory_space<hbm>> -> memref<1x640x64xf32, #tpu.memory_space<hbm>>
      %dma_start3A_19 = tpu.memref_squeeze %dma_start3A_18 : memref<1x640x64xf32, #tpu.memory_space<hbm>> -> memref<640x64xf32, #tpu.memory_space<hbm>>
      %dma_start3A_20 = arith.constant 0 : i32
      %dma_start3A_21 = tpu.memref_slice %arg6[%arg0, %mul3A_17, %dma_start3A_20] : memref<2x10240x64xf32, #tpu.memory_space<hbm>> -> memref<1x640x64xf32, #tpu.memory_space<hbm>>
      %dma_start3A_22 = tpu.memref_squeeze %dma_start3A_21 : memref<1x640x64xf32, #tpu.memory_space<hbm>> -> memref<640x64xf32, #tpu.memory_space<hbm>>
      tpu.enqueue_dma source(%arg11 : memref<640x64xf32, #tpu.memory_space<vmem>>) target(%dma_start3A_22 : memref<640x64xf32, #tpu.memory_space<hbm>>) target_semaphore(%run_scoped3A : memref<!tpu.dma_semaphore, #tpu.memory_space<semaphore_mem>>)
      %dma_wait3A = arith.constant 0 : i32
      %dma_wait3A_23 = tpu.memref_slice %arg6[%arg0, %mul3A_17, %dma_wait3A] : memref<2x10240x64xf32, #tpu.memory_space<hbm>> -> memref<1x640x64xf32, #tpu.memory_space<hbm>>
      %dma_wait3A_24 = tpu.memref_squeeze %dma_wait3A_23 : memref<1x640x64xf32, #tpu.memory_space<hbm>> -> memref<640x64xf32, #tpu.memory_space<hbm>>
      %dma_wait3A_25 = arith.constant 0 : i32
      %dma_wait3A_26 = tpu.memref_slice %arg6[%arg0, %mul3A_17, %dma_wait3A_25] : memref<2x10240x64xf32, #tpu.memory_space<hbm>> -> memref<1x640x64xf32, #tpu.memory_space<hbm>>
      %dma_wait3A_27 = tpu.memref_squeeze %dma_wait3A_26 : memref<1x640x64xf32, #tpu.memory_space<hbm>> -> memref<640x64xf32, #tpu.memory_space<hbm>>
      tpu.wait_dma2 semaphore(%run_scoped3A : memref<!tpu.dma_semaphore, #tpu.memory_space<semaphore_mem>>) src(%arg11 : memref<640x64xf32, #tpu.memory_space<vmem>>) dst(%dma_wait3A_27 : memref<640x64xf32, #tpu.memory_space<hbm>>)
      tpu.yield
    }) : () -> ()
    return
  }
}

#map = affine_map<(d0, d1) -> (0, 0)>
#map1 = affine_map<(d0, d1) -> (0, 0, 0)>
module attributes {stable_mosaic.version = 14 : i64} {
  func.func @_segsum_body(%arg0: i32, %arg1: i32, %arg2: memref<10000x64xf32, #tpu.memory_space<hbm>>, %arg3: memref<2560x128xi32, #tpu.memory_space<hbm>>, %arg4: memref<2560x128xi32, #tpu.memory_space<hbm>>, %arg5: memref<10240x64xf32, #tpu.memory_space<hbm>>, %arg6: memref<2x10240x64xf32, #tpu.memory_space<hbm>>, %arg7: memref<10240x64xf32, #tpu.memory_space<vmem_shared>>, %arg8: memref<80x128xi32, #tpu.memory_space<vmem>>, %arg9: memref<80x128xi32, #tpu.memory_space<vmem>>, %arg10: memref<128x64xf32, #tpu.memory_space<vmem>>, %arg11: memref<640x64xf32, #tpu.memory_space<vmem>>, %arg12: memref<!tpu.dma_semaphore, #tpu.memory_space<semaphore_mem>>) attributes {dimension_semantics = [#tpu.dimension_semantics<core_parallel>, #tpu.dimension_semantics<subcore_parallel>], iteration_bounds = array<i64: 2, 16>, scalar_prefetch = 0 : i64, scratch_operands = 6 : i64, tpu.core_type = #tpu.core_type<sc_vector_subcore>, window_params = [{transform_indices = #map}, {transform_indices = #map}, {transform_indices = #map}, {transform_indices = #map}, {transform_indices = #map1}]} {
    %mul3A = arith.constant 2 : i32
    %mul3A_0 = arith.muli %arg1, %mul3A : i32
    %add3A = arith.addi %mul3A_0, %arg0 : i32
    %mul3A_1 = arith.constant 640 : i32
    %mul3A_2 = arith.muli %arg1, %mul3A_1 : i32
    "tpu.region"() ({
      %run_scoped3A = tpu.sem_alloc : memref<!tpu.dma_semaphore, #tpu.memory_space<semaphore_mem>>
      %dma_start3A = arith.constant 0 : i32
      %dma_start3A_18 = tpu.memref_slice %arg5[%mul3A_2, %dma_start3A] : memref<10240x64xf32, #tpu.memory_space<hbm>> -> memref<640x64xf32, #tpu.memory_space<hbm>>
      %dma_start3A_19 = arith.constant 0 : i32
      %dma_start3A_20 = tpu.memref_slice %arg5[%mul3A_2, %dma_start3A_19] : memref<10240x64xf32, #tpu.memory_space<hbm>> -> memref<640x64xf32, #tpu.memory_space<hbm>>
      tpu.enqueue_dma source(%dma_start3A_20 : memref<640x64xf32, #tpu.memory_space<hbm>>) target(%arg11 : memref<640x64xf32, #tpu.memory_space<vmem>>) target_semaphore(%run_scoped3A : memref<!tpu.dma_semaphore, #tpu.memory_space<semaphore_mem>>)
      %dma_wait3A = arith.constant 0 : i32
      %dma_wait3A_21 = tpu.memref_slice %arg5[%mul3A_2, %dma_wait3A] : memref<10240x64xf32, #tpu.memory_space<hbm>> -> memref<640x64xf32, #tpu.memory_space<hbm>>
      %dma_wait3A_22 = arith.constant 0 : i32
      %dma_wait3A_23 = tpu.memref_slice %arg5[%mul3A_2, %dma_wait3A_22] : memref<10240x64xf32, #tpu.memory_space<hbm>> -> memref<640x64xf32, #tpu.memory_space<hbm>>
      tpu.wait_dma2 semaphore(%run_scoped3A : memref<!tpu.dma_semaphore, #tpu.memory_space<semaphore_mem>>) src(%dma_wait3A_23 : memref<640x64xf32, #tpu.memory_space<hbm>>) dst(%arg11 : memref<640x64xf32, #tpu.memory_space<vmem>>)
      tpu.yield
    }) : () -> ()
    %mul3A_3 = arith.constant 640 : i32
    %mul3A_4 = arith.muli %arg1, %mul3A_3 : i32
    "tpu.region"() ({
      %run_scoped3A = tpu.sem_alloc : memref<!tpu.dma_semaphore, #tpu.memory_space<semaphore_mem>>
      %dma_start3A = arith.constant 0 : i32
      %dma_start3A_18 = tpu.memref_slice %arg7[%mul3A_4, %dma_start3A] : memref<10240x64xf32, #tpu.memory_space<vmem_shared>> -> memref<640x64xf32, #tpu.memory_space<vmem_shared>>
      %dma_start3A_19 = arith.constant 0 : i32
      %dma_start3A_20 = tpu.memref_slice %arg7[%mul3A_4, %dma_start3A_19] : memref<10240x64xf32, #tpu.memory_space<vmem_shared>> -> memref<640x64xf32, #tpu.memory_space<vmem_shared>>
      tpu.enqueue_dma source(%arg11 : memref<640x64xf32, #tpu.memory_space<vmem>>) target(%dma_start3A_20 : memref<640x64xf32, #tpu.memory_space<vmem_shared>>) target_semaphore(%run_scoped3A : memref<!tpu.dma_semaphore, #tpu.memory_space<semaphore_mem>>)
      %dma_wait3A = arith.constant 0 : i32
      %dma_wait3A_21 = tpu.memref_slice %arg7[%mul3A_4, %dma_wait3A] : memref<10240x64xf32, #tpu.memory_space<vmem_shared>> -> memref<640x64xf32, #tpu.memory_space<vmem_shared>>
      %dma_wait3A_22 = arith.constant 0 : i32
      %dma_wait3A_23 = tpu.memref_slice %arg7[%mul3A_4, %dma_wait3A_22] : memref<10240x64xf32, #tpu.memory_space<vmem_shared>> -> memref<640x64xf32, #tpu.memory_space<vmem_shared>>
      tpu.wait_dma2 semaphore(%run_scoped3A : memref<!tpu.dma_semaphore, #tpu.memory_space<semaphore_mem>>) src(%arg11 : memref<640x64xf32, #tpu.memory_space<vmem>>) dst(%dma_wait3A_23 : memref<640x64xf32, #tpu.memory_space<vmem_shared>>)
      tpu.yield
    }) : () -> ()
    %mul3A_5 = arith.constant 80 : i32
    %mul3A_6 = arith.muli %add3A, %mul3A_5 : i32
    "tpu.region"() ({
      %run_scoped3A = tpu.sem_alloc : memref<!tpu.dma_semaphore, #tpu.memory_space<semaphore_mem>>
      %dma_start3A = arith.constant 0 : i32
      %dma_start3A_18 = tpu.memref_slice %arg3[%mul3A_6, %dma_start3A] : memref<2560x128xi32, #tpu.memory_space<hbm>> -> memref<80x128xi32, #tpu.memory_space<hbm>>
      %dma_start3A_19 = arith.constant 0 : i32
      %dma_start3A_20 = tpu.memref_slice %arg3[%mul3A_6, %dma_start3A_19] : memref<2560x128xi32, #tpu.memory_space<hbm>> -> memref<80x128xi32, #tpu.memory_space<hbm>>
      tpu.enqueue_dma source(%dma_start3A_20 : memref<80x128xi32, #tpu.memory_space<hbm>>) target(%arg8 : memref<80x128xi32, #tpu.memory_space<vmem>>) target_semaphore(%run_scoped3A : memref<!tpu.dma_semaphore, #tpu.memory_space<semaphore_mem>>)
      %dma_wait3A = arith.constant 0 : i32
      %dma_wait3A_21 = tpu.memref_slice %arg3[%mul3A_6, %dma_wait3A] : memref<2560x128xi32, #tpu.memory_space<hbm>> -> memref<80x128xi32, #tpu.memory_space<hbm>>
      %dma_wait3A_22 = arith.constant 0 : i32
      %dma_wait3A_23 = tpu.memref_slice %arg3[%mul3A_6, %dma_wait3A_22] : memref<2560x128xi32, #tpu.memory_space<hbm>> -> memref<80x128xi32, #tpu.memory_space<hbm>>
      tpu.wait_dma2 semaphore(%run_scoped3A : memref<!tpu.dma_semaphore, #tpu.memory_space<semaphore_mem>>) src(%dma_wait3A_23 : memref<80x128xi32, #tpu.memory_space<hbm>>) dst(%arg8 : memref<80x128xi32, #tpu.memory_space<vmem>>)
      tpu.yield
    }) : () -> ()
    %mul3A_7 = arith.constant 80 : i32
    %mul3A_8 = arith.muli %add3A, %mul3A_7 : i32
    "tpu.region"() ({
      %run_scoped3A = tpu.sem_alloc : memref<!tpu.dma_semaphore, #tpu.memory_space<semaphore_mem>>
      %dma_start3A = arith.constant 0 : i32
      %dma_start3A_18 = tpu.memref_slice %arg4[%mul3A_8, %dma_start3A] : memref<2560x128xi32, #tpu.memory_space<hbm>> -> memref<80x128xi32, #tpu.memory_space<hbm>>
      %dma_start3A_19 = arith.constant 0 : i32
      %dma_start3A_20 = tpu.memref_slice %arg4[%mul3A_8, %dma_start3A_19] : memref<2560x128xi32, #tpu.memory_space<hbm>> -> memref<80x128xi32, #tpu.memory_space<hbm>>
      tpu.enqueue_dma source(%dma_start3A_20 : memref<80x128xi32, #tpu.memory_space<hbm>>) target(%arg9 : memref<80x128xi32, #tpu.memory_space<vmem>>) target_semaphore(%run_scoped3A : memref<!tpu.dma_semaphore, #tpu.memory_space<semaphore_mem>>)
      %dma_wait3A = arith.constant 0 : i32
      %dma_wait3A_21 = tpu.memref_slice %arg4[%mul3A_8, %dma_wait3A] : memref<2560x128xi32, #tpu.memory_space<hbm>> -> memref<80x128xi32, #tpu.memory_space<hbm>>
      %dma_wait3A_22 = arith.constant 0 : i32
      %dma_wait3A_23 = tpu.memref_slice %arg4[%mul3A_8, %dma_wait3A_22] : memref<2560x128xi32, #tpu.memory_space<hbm>> -> memref<80x128xi32, #tpu.memory_space<hbm>>
      tpu.wait_dma2 semaphore(%run_scoped3A : memref<!tpu.dma_semaphore, #tpu.memory_space<semaphore_mem>>) src(%dma_wait3A_23 : memref<80x128xi32, #tpu.memory_space<hbm>>) dst(%arg9 : memref<80x128xi32, #tpu.memory_space<vmem>>)
      tpu.yield
    }) : () -> ()
    %barrier3A = arith.constant 0 : index
    tpu.barrier barrier_id(%barrier3A)
    %scan3A = arith.constant 0 : i32
    %scan3A_9 = arith.constant 80 : i32
    %scan3A_10 = arith.addi %scan3A, %scan3A_9 : i32
    %scan3A_11 = arith.constant 1 : i32
    scf.for %scan3A_18 = %scan3A to %scan3A_10 step %scan3A_11  : i32 {
      %mul3A_19 = arith.constant 1 : i32
      %mul3A_20 = arith.muli %scan3A_18, %mul3A_19 : i32
      %add3A_21 = arith.constant 0 : i32
      %add3A_22 = arith.addi %add3A_21, %mul3A_20 : i32
      %dma_start3A = arith.constant 0 : i32
      %dma_start3A_23 = tpu.memref_slice %arg8[%add3A_22, %dma_start3A] : memref<80x128xi32, #tpu.memory_space<vmem>> -> memref<1x128xi32, #tpu.memory_space<vmem>>
      %dma_start3A_24 = tpu.memref_squeeze %dma_start3A_23 : memref<1x128xi32, #tpu.memory_space<vmem>> -> memref<128xi32, #tpu.memory_space<vmem>>
      %dma_start3A_25 = arith.constant 0 : i32
      %dma_start3A_26 = arith.constant 0 : i32
      %dma_start3A_27 = tpu.memref_slice %arg2[%dma_start3A_25, %dma_start3A_26] : memref<10000x64xf32, #tpu.memory_space<hbm>> -> memref<10000x64xf32, #tpu.memory_space<hbm>>
      tpu.enqueue_indirect_dma source(%dma_start3A_27 : memref<10000x64xf32, #tpu.memory_space<hbm>>) target(%arg10 : memref<128x64xf32, #tpu.memory_space<vmem>>) offsets(%dma_start3A_24 : memref<128xi32, #tpu.memory_space<vmem>>) semaphore(%arg12 : memref<!tpu.dma_semaphore, #tpu.memory_space<semaphore_mem>>)
      %dma_wait3A = arith.constant 0 : i32
      %dma_wait3A_28 = tpu.memref_slice %arg8[%add3A_22, %dma_wait3A] : memref<80x128xi32, #tpu.memory_space<vmem>> -> memref<1x128xi32, #tpu.memory_space<vmem>>
      %dma_wait3A_29 = tpu.memref_squeeze %dma_wait3A_28 : memref<1x128xi32, #tpu.memory_space<vmem>> -> memref<128xi32, #tpu.memory_space<vmem>>
      %dma_wait3A_30 = arith.constant 0 : i32
      %dma_wait3A_31 = arith.constant 0 : i32
      %dma_wait3A_32 = tpu.memref_slice %arg2[%dma_wait3A_30, %dma_wait3A_31] : memref<10000x64xf32, #tpu.memory_space<hbm>> -> memref<10000x64xf32, #tpu.memory_space<hbm>>
      tpu.wait_indirect_dma semaphore(%arg12 : memref<!tpu.dma_semaphore, #tpu.memory_space<semaphore_mem>>) src(%dma_wait3A_32 : memref<10000x64xf32, #tpu.memory_space<hbm>>) dst(%arg10 : memref<128x64xf32, #tpu.memory_space<vmem>>)
      "tpu.region"() ({
        %run_scoped3A = tpu.sem_alloc : memref<!tpu.dma_semaphore, #tpu.memory_space<semaphore_mem>>
        %dma_start3A_33 = arith.constant 0 : i32
        %dma_start3A_34 = tpu.memref_slice %arg9[%add3A_22, %dma_start3A_33] : memref<80x128xi32, #tpu.memory_space<vmem>> -> memref<1x128xi32, #tpu.memory_space<vmem>>
        %dma_start3A_35 = tpu.memref_squeeze %dma_start3A_34 : memref<1x128xi32, #tpu.memory_space<vmem>> -> memref<128xi32, #tpu.memory_space<vmem>>
        %dma_start3A_36 = arith.constant 0 : i32
        %dma_start3A_37 = arith.constant 0 : i32
        %dma_start3A_38 = tpu.memref_slice %arg7[%dma_start3A_36, %dma_start3A_37] : memref<10240x64xf32, #tpu.memory_space<vmem_shared>> -> memref<10240x64xf32, #tpu.memory_space<vmem_shared>>
        tpu.enqueue_indirect_dma source(%arg10 : memref<128x64xf32, #tpu.memory_space<vmem>>) target(%dma_start3A_38 : memref<10240x64xf32, #tpu.memory_space<vmem_shared>>) offsets(%dma_start3A_35 : memref<128xi32, #tpu.memory_space<vmem>>) semaphore(%run_scoped3A : memref<!tpu.dma_semaphore, #tpu.memory_space<semaphore_mem>>) {add = true}
        %dma_wait3A_39 = arith.constant 0 : i32
        %dma_wait3A_40 = tpu.memref_slice %arg9[%add3A_22, %dma_wait3A_39] : memref<80x128xi32, #tpu.memory_space<vmem>> -> memref<1x128xi32, #tpu.memory_space<vmem>>
        %dma_wait3A_41 = tpu.memref_squeeze %dma_wait3A_40 : memref<1x128xi32, #tpu.memory_space<vmem>> -> memref<128xi32, #tpu.memory_space<vmem>>
        %dma_wait3A_42 = arith.constant 0 : i32
        %dma_wait3A_43 = arith.constant 0 : i32
        %dma_wait3A_44 = tpu.memref_slice %arg7[%dma_wait3A_42, %dma_wait3A_43] : memref<10240x64xf32, #tpu.memory_space<vmem_shared>> -> memref<10240x64xf32, #tpu.memory_space<vmem_shared>>
        tpu.wait_indirect_dma semaphore(%run_scoped3A : memref<!tpu.dma_semaphore, #tpu.memory_space<semaphore_mem>>) src(%arg10 : memref<128x64xf32, #tpu.memory_space<vmem>>) dst(%dma_wait3A_44 : memref<10240x64xf32, #tpu.memory_space<vmem_shared>>)
        tpu.yield
      }) : () -> ()
    }
    %scan3A_12 = arith.constant 80 : i32
    %barrier3A_13 = arith.constant 0 : index
    tpu.barrier barrier_id(%barrier3A_13)
    %mul3A_14 = arith.constant 640 : i32
    %mul3A_15 = arith.muli %arg1, %mul3A_14 : i32
    "tpu.region"() ({
      %run_scoped3A = tpu.sem_alloc : memref<!tpu.dma_semaphore, #tpu.memory_space<semaphore_mem>>
      %dma_start3A = arith.constant 0 : i32
      %dma_start3A_18 = tpu.memref_slice %arg7[%mul3A_15, %dma_start3A] : memref<10240x64xf32, #tpu.memory_space<vmem_shared>> -> memref<640x64xf32, #tpu.memory_space<vmem_shared>>
      %dma_start3A_19 = arith.constant 0 : i32
      %dma_start3A_20 = tpu.memref_slice %arg7[%mul3A_15, %dma_start3A_19] : memref<10240x64xf32, #tpu.memory_space<vmem_shared>> -> memref<640x64xf32, #tpu.memory_space<vmem_shared>>
      tpu.enqueue_dma source(%dma_start3A_20 : memref<640x64xf32, #tpu.memory_space<vmem_shared>>) target(%arg11 : memref<640x64xf32, #tpu.memory_space<vmem>>) target_semaphore(%run_scoped3A : memref<!tpu.dma_semaphore, #tpu.memory_space<semaphore_mem>>)
      %dma_wait3A = arith.constant 0 : i32
      %dma_wait3A_21 = tpu.memref_slice %arg7[%mul3A_15, %dma_wait3A] : memref<10240x64xf32, #tpu.memory_space<vmem_shared>> -> memref<640x64xf32, #tpu.memory_space<vmem_shared>>
      %dma_wait3A_22 = arith.constant 0 : i32
      %dma_wait3A_23 = tpu.memref_slice %arg7[%mul3A_15, %dma_wait3A_22] : memref<10240x64xf32, #tpu.memory_space<vmem_shared>> -> memref<640x64xf32, #tpu.memory_space<vmem_shared>>
      tpu.wait_dma2 semaphore(%run_scoped3A : memref<!tpu.dma_semaphore, #tpu.memory_space<semaphore_mem>>) src(%dma_wait3A_23 : memref<640x64xf32, #tpu.memory_space<vmem_shared>>) dst(%arg11 : memref<640x64xf32, #tpu.memory_space<vmem>>)
      tpu.yield
    }) : () -> ()
    %mul3A_16 = arith.constant 640 : i32
    %mul3A_17 = arith.muli %arg1, %mul3A_16 : i32
    "tpu.region"() ({
      %run_scoped3A = tpu.sem_alloc : memref<!tpu.dma_semaphore, #tpu.memory_space<semaphore_mem>>
      %dma_start3A = arith.constant 0 : i32
      %dma_start3A_18 = tpu.memref_slice %arg6[%arg0, %mul3A_17, %dma_start3A] : memref<2x10240x64xf32, #tpu.memory_space<hbm>> -> memref<1x640x64xf32, #tpu.memory_space<hbm>>
      %dma_start3A_19 = tpu.memref_squeeze %dma_start3A_18 : memref<1x640x64xf32, #tpu.memory_space<hbm>> -> memref<640x64xf32, #tpu.memory_space<hbm>>
      %dma_start3A_20 = arith.constant 0 : i32
      %dma_start3A_21 = tpu.memref_slice %arg6[%arg0, %mul3A_17, %dma_start3A_20] : memref<2x10240x64xf32, #tpu.memory_space<hbm>> -> memref<1x640x64xf32, #tpu.memory_space<hbm>>
      %dma_start3A_22 = tpu.memref_squeeze %dma_start3A_21 : memref<1x640x64xf32, #tpu.memory_space<hbm>> -> memref<640x64xf32, #tpu.memory_space<hbm>>
      tpu.enqueue_dma source(%arg11 : memref<640x64xf32, #tpu.memory_space<vmem>>) target(%dma_start3A_22 : memref<640x64xf32, #tpu.memory_space<hbm>>) target_semaphore(%run_scoped3A : memref<!tpu.dma_semaphore, #tpu.memory_space<semaphore_mem>>)
      %dma_wait3A = arith.constant 0 : i32
      %dma_wait3A_23 = tpu.memref_slice %arg6[%arg0, %mul3A_17, %dma_wait3A] : memref<2x10240x64xf32, #tpu.memory_space<hbm>> -> memref<1x640x64xf32, #tpu.memory_space<hbm>>
      %dma_wait3A_24 = tpu.memref_squeeze %dma_wait3A_23 : memref<1x640x64xf32, #tpu.memory_space<hbm>> -> memref<640x64xf32, #tpu.memory_space<hbm>>
      %dma_wait3A_25 = arith.constant 0 : i32
      %dma_wait3A_26 = tpu.memref_slice %arg6[%arg0, %mul3A_17, %dma_wait3A_25] : memref<2x10240x64xf32, #tpu.memory_space<hbm>> -> memref<1x640x64xf32, #tpu.memory_space<hbm>>
      %dma_wait3A_27 = tpu.memref_squeeze %dma_wait3A_26 : memref<1x640x64xf32, #tpu.memory_space<hbm>> -> memref<640x64xf32, #tpu.memory_space<hbm>>
      tpu.wait_dma2 semaphore(%run_scoped3A : memref<!tpu.dma_semaphore, #tpu.memory_space<semaphore_mem>>) src(%arg11 : memref<640x64xf32, #tpu.memory_space<vmem>>) dst(%dma_wait3A_27 : memref<640x64xf32, #tpu.memory_space<hbm>>)
      tpu.yield
    }) : () -> ()
    return
  }
}

module attributes {stable_mosaic.version = 14 : i64} {
  func.func @_layer1_body(%arg0: memref<10000x128xf32, #tpu.memory_space<vmem>>, %arg1: memref<2x10240x64xf32, #tpu.memory_space<vmem>>, %arg2: memref<2x10240x64xf32, #tpu.memory_space<vmem>>, %arg3: memref<128x64xf32, #tpu.memory_space<vmem>>, %arg4: memref<1x64xf32, #tpu.memory_space<vmem>>, %arg5: memref<64x64xf32, #tpu.memory_space<vmem>>, %arg6: memref<1x64xf32, #tpu.memory_space<vmem>>, %arg7: memref<1x64xf32, #tpu.memory_space<vmem>>, %arg8: memref<1x64xf32, #tpu.memory_space<vmem>>, %arg9: memref<10000x64xf32, #tpu.memory_space<vmem>>) attributes {dimension_semantics = [], scalar_prefetch = 0 : i64, scratch_operands = 0 : i64, tpu.core_type = #tpu.core_type<tc>} {
    %get3A = arith.constant 0 : index
    %get3A_0 = arith.constant 0 : index
    %get3A_1 = arith.constant 0 : index
    %get3A_2 = vector.load %arg1[%get3A, %get3A_0, %get3A_1] : memref<2x10240x64xf32, #tpu.memory_space<vmem>>, vector<1x10000x64xf32>
    %get3A_3 = vector.shape_cast %get3A_2 : vector<1x10000x64xf32> to vector<10000x64xf32>
    %get3A_4 = arith.constant 1 : index
    %get3A_5 = arith.constant 0 : index
    %get3A_6 = arith.constant 0 : index
    %get3A_7 = vector.load %arg1[%get3A_4, %get3A_5, %get3A_6] : memref<2x10240x64xf32, #tpu.memory_space<vmem>>, vector<1x10000x64xf32>
    %get3A_8 = vector.shape_cast %get3A_7 : vector<1x10000x64xf32> to vector<10000x64xf32>
    %add3A = arith.addf %get3A_3, %get3A_8 : vector<10000x64xf32>
    %get3A_9 = arith.constant 0 : index
    %get3A_10 = arith.constant 0 : index
    %get3A_11 = arith.constant 0 : index
    %get3A_12 = vector.load %arg2[%get3A_9, %get3A_10, %get3A_11] : memref<2x10240x64xf32, #tpu.memory_space<vmem>>, vector<1x10000x64xf32>
    %get3A_13 = vector.shape_cast %get3A_12 : vector<1x10000x64xf32> to vector<10000x64xf32>
    %get3A_14 = arith.constant 1 : index
    %get3A_15 = arith.constant 0 : index
    %get3A_16 = arith.constant 0 : index
    %get3A_17 = vector.load %arg2[%get3A_14, %get3A_15, %get3A_16] : memref<2x10240x64xf32, #tpu.memory_space<vmem>>, vector<1x10000x64xf32>
    %get3A_18 = vector.shape_cast %get3A_17 : vector<1x10000x64xf32> to vector<10000x64xf32>
    %add3A_19 = arith.addf %get3A_13, %get3A_18 : vector<10000x64xf32>
    %concatenate3A = tpu.concatenate %add3A, %add3A_19 in 1 : vector<10000x64xf32>, vector<10000x64xf32> -> vector<10000x128xf32>
    %get3A_20 = arith.constant 0 : index
    %get3A_21 = arith.constant 0 : index
    %get3A_22 = vector.load %arg0[%get3A_20, %get3A_21] : memref<10000x128xf32, #tpu.memory_space<vmem>>, vector<10000x128xf32>
    %add3A_23 = arith.addf %get3A_22, %concatenate3A : vector<10000x128xf32>
    %get3A_24 = arith.constant 0 : index
    %get3A_25 = arith.constant 0 : index
    %get3A_26 = vector.load %arg3[%get3A_24, %get3A_25] : memref<128x64xf32, #tpu.memory_space<vmem>>, vector<128x64xf32>
    %dot_general3A = arith.constant dense<0.000000e+00> : vector<10000x64xf32>
    %dot_general3A_27 = tpu.matmul %add3A_23, %get3A_26, %dot_general3A {dimension_numbers = #tpu.dot_dimension_numbers<[1], [0], [0], [1], [0, 0, 1, 1], [], []>, transpose_lhs_hint = false} : vector<10000x128xf32>, vector<128x64xf32>, vector<10000x64xf32> -> vector<10000x64xf32>
    %get3A_28 = arith.constant 0 : index
    %get3A_29 = arith.constant 0 : index
    %get3A_30 = vector.load %arg4[%get3A_28, %get3A_29] : memref<1x64xf32, #tpu.memory_space<vmem>>, vector<1x64xf32>
    %add3A_31 = vector.broadcast %get3A_30 : vector<1x64xf32> to vector<10000x64xf32>
    %add3A_32 = arith.addf %dot_general3A_27, %add3A_31 : vector<10000x64xf32>
    %max3A = arith.constant 0.000000e+00 : f32
    %max3A_33 = vector.broadcast %max3A : f32 to vector<10000x64xf32>
    %max3A_34 = arith.maximumf %add3A_32, %max3A_33 : vector<10000x64xf32>
    %get3A_35 = arith.constant 0 : index
    %get3A_36 = arith.constant 0 : index
    %get3A_37 = vector.load %arg5[%get3A_35, %get3A_36] : memref<64x64xf32, #tpu.memory_space<vmem>>, vector<64x64xf32>
    %dot_general3A_38 = arith.constant dense<0.000000e+00> : vector<10000x64xf32>
    %dot_general3A_39 = tpu.matmul %max3A_34, %get3A_37, %dot_general3A_38 {dimension_numbers = #tpu.dot_dimension_numbers<[1], [0], [0], [1], [0, 0, 1, 1], [], []>, transpose_lhs_hint = false} : vector<10000x64xf32>, vector<64x64xf32>, vector<10000x64xf32> -> vector<10000x64xf32>
    %get3A_40 = arith.constant 0 : index
    %get3A_41 = arith.constant 0 : index
    %get3A_42 = vector.load %arg6[%get3A_40, %get3A_41] : memref<1x64xf32, #tpu.memory_space<vmem>>, vector<1x64xf32>
    %add3A_43 = vector.broadcast %get3A_42 : vector<1x64xf32> to vector<10000x64xf32>
    %add3A_44 = arith.addf %dot_general3A_39, %add3A_43 : vector<10000x64xf32>
    %max3A_45 = arith.constant 0.000000e+00 : f32
    %max3A_46 = vector.broadcast %max3A_45 : f32 to vector<10000x64xf32>
    %max3A_47 = arith.maximumf %add3A_44, %max3A_46 : vector<10000x64xf32>
    %reduce_sum3A = arith.constant dense<0.000000e+00> : vector<64xf32>
    %reduce_sum3A_48 = vector.multi_reduction <add>, %max3A_47, %reduce_sum3A [0] : vector<10000x64xf32> to vector<64xf32>
    %broadcast_in_dim3A = vector.shape_cast %reduce_sum3A_48 : vector<64xf32> to vector<1x64xf32>
    %div3A = arith.constant 1.000000e+04 : f32
    %div3A_49 = vector.broadcast %div3A : f32 to vector<1x64xf32>
    %div3A_50 = arith.divf %broadcast_in_dim3A, %div3A_49 : vector<1x64xf32>
    %sub3A = vector.broadcast %div3A_50 : vector<1x64xf32> to vector<10000x64xf32>
    %sub3A_51 = arith.subf %max3A_47, %sub3A : vector<10000x64xf32>
    %integer_pow3A = arith.mulf %sub3A_51, %sub3A_51 : vector<10000x64xf32>
    %reduce_sum3A_52 = arith.constant dense<0.000000e+00> : vector<64xf32>
    %reduce_sum3A_53 = vector.multi_reduction <add>, %integer_pow3A, %reduce_sum3A_52 [0] : vector<10000x64xf32> to vector<64xf32>
    %broadcast_in_dim3A_54 = vector.shape_cast %reduce_sum3A_53 : vector<64xf32> to vector<1x64xf32>
    %div3A_55 = arith.constant 1.000000e+04 : f32
    %div3A_56 = vector.broadcast %div3A_55 : f32 to vector<1x64xf32>
    %div3A_57 = arith.divf %broadcast_in_dim3A_54, %div3A_56 : vector<1x64xf32>
    %sub3A_58 = vector.broadcast %div3A_50 : vector<1x64xf32> to vector<10000x64xf32>
    %sub3A_59 = arith.subf %max3A_47, %sub3A_58 : vector<10000x64xf32>
    %add3A_60 = arith.constant 9.99999974E-6 : f32
    %add3A_61 = vector.broadcast %add3A_60 : f32 to vector<1x64xf32>
    %add3A_62 = arith.addf %div3A_57, %add3A_61 : vector<1x64xf32>
    %sqrt3A = math.sqrt %add3A_62 : vector<1x64xf32>
    %div3A_63 = vector.broadcast %sqrt3A : vector<1x64xf32> to vector<10000x64xf32>
    %div3A_64 = arith.divf %sub3A_59, %div3A_63 : vector<10000x64xf32>
    %get3A_65 = arith.constant 0 : index
    %get3A_66 = arith.constant 0 : index
    %get3A_67 = vector.load %arg7[%get3A_65, %get3A_66] : memref<1x64xf32, #tpu.memory_space<vmem>>, vector<1x64xf32>
    %mul3A = vector.broadcast %get3A_67 : vector<1x64xf32> to vector<10000x64xf32>
    %mul3A_68 = arith.mulf %div3A_64, %mul3A : vector<10000x64xf32>
    %get3A_69 = arith.constant 0 : index
    %get3A_70 = arith.constant 0 : index
    %get3A_71 = vector.load %arg8[%get3A_69, %get3A_70] : memref<1x64xf32, #tpu.memory_space<vmem>>, vector<1x64xf32>
    %add3A_72 = vector.broadcast %get3A_71 : vector<1x64xf32> to vector<10000x64xf32>
    %add3A_73 = arith.addf %mul3A_68, %add3A_72 : vector<10000x64xf32>
    %max3A_74 = arith.constant 0.000000e+00 : f32
    %max3A_75 = vector.broadcast %max3A_74 : f32 to vector<10000x64xf32>
    %max3A_76 = arith.maximumf %add3A_73, %max3A_75 : vector<10000x64xf32>
    %swap3A = arith.constant 0 : index
    %swap3A_77 = arith.constant 0 : index
    %swap3A_78 = vector.load %arg9[%swap3A, %swap3A_77] : memref<10000x64xf32, #tpu.memory_space<vmem>>, vector<10000x64xf32>
    tpu.vector_store %arg9[%swap3A, %swap3A_77], %max3A_76 {strides = array<i32>} : memref<10000x64xf32, #tpu.memory_space<vmem>>, vector<10000x64xf32>,
    return
  }
}

module attributes {stable_mosaic.version = 14 : i64} {
  func.func @_layer_body(%arg0: memref<10000x64xf32, #tpu.memory_space<vmem>>, %arg1: memref<2x10240x64xf32, #tpu.memory_space<vmem>>, %arg2: memref<64x64xf32, #tpu.memory_space<vmem>>, %arg3: memref<1x64xf32, #tpu.memory_space<vmem>>, %arg4: memref<64x64xf32, #tpu.memory_space<vmem>>, %arg5: memref<1x64xf32, #tpu.memory_space<vmem>>, %arg6: memref<1x64xf32, #tpu.memory_space<vmem>>, %arg7: memref<1x64xf32, #tpu.memory_space<vmem>>, %arg8: memref<10000x64xf32, #tpu.memory_space<vmem>>) attributes {dimension_semantics = [], scalar_prefetch = 0 : i64, scratch_operands = 0 : i64, tpu.core_type = #tpu.core_type<tc>} {
    %get3A = arith.constant 0 : index
    %get3A_0 = arith.constant 0 : index
    %get3A_1 = vector.load %arg0[%get3A, %get3A_0] : memref<10000x64xf32, #tpu.memory_space<vmem>>, vector<10000x64xf32>
    %get3A_2 = arith.constant 0 : index
    %get3A_3 = arith.constant 0 : index
    %get3A_4 = arith.constant 0 : index
    %get3A_5 = vector.load %arg1[%get3A_2, %get3A_3, %get3A_4] : memref<2x10240x64xf32, #tpu.memory_space<vmem>>, vector<1x10000x64xf32>
    %get3A_6 = vector.shape_cast %get3A_5 : vector<1x10000x64xf32> to vector<10000x64xf32>
    %get3A_7 = arith.constant 1 : index
    %get3A_8 = arith.constant 0 : index
    %get3A_9 = arith.constant 0 : index
    %get3A_10 = vector.load %arg1[%get3A_7, %get3A_8, %get3A_9] : memref<2x10240x64xf32, #tpu.memory_space<vmem>>, vector<1x10000x64xf32>
    %get3A_11 = vector.shape_cast %get3A_10 : vector<1x10000x64xf32> to vector<10000x64xf32>
    %add3A = arith.addf %get3A_6, %get3A_11 : vector<10000x64xf32>
    %add3A_12 = arith.addf %get3A_1, %add3A : vector<10000x64xf32>
    %get3A_13 = arith.constant 0 : index
    %get3A_14 = arith.constant 0 : index
    %get3A_15 = vector.load %arg2[%get3A_13, %get3A_14] : memref<64x64xf32, #tpu.memory_space<vmem>>, vector<64x64xf32>
    %dot_general3A = arith.constant dense<0.000000e+00> : vector<10000x64xf32>
    %dot_general3A_16 = tpu.matmul %add3A_12, %get3A_15, %dot_general3A {dimension_numbers = #tpu.dot_dimension_numbers<[1], [0], [0], [1], [0, 0, 1, 1], [], []>, transpose_lhs_hint = false} : vector<10000x64xf32>, vector<64x64xf32>, vector<10000x64xf32> -> vector<10000x64xf32>
    %get3A_17 = arith.constant 0 : index
    %get3A_18 = arith.constant 0 : index
    %get3A_19 = vector.load %arg3[%get3A_17, %get3A_18] : memref<1x64xf32, #tpu.memory_space<vmem>>, vector<1x64xf32>
    %add3A_20 = vector.broadcast %get3A_19 : vector<1x64xf32> to vector<10000x64xf32>
    %add3A_21 = arith.addf %dot_general3A_16, %add3A_20 : vector<10000x64xf32>
    %max3A = arith.constant 0.000000e+00 : f32
    %max3A_22 = vector.broadcast %max3A : f32 to vector<10000x64xf32>
    %max3A_23 = arith.maximumf %add3A_21, %max3A_22 : vector<10000x64xf32>
    %get3A_24 = arith.constant 0 : index
    %get3A_25 = arith.constant 0 : index
    %get3A_26 = vector.load %arg4[%get3A_24, %get3A_25] : memref<64x64xf32, #tpu.memory_space<vmem>>, vector<64x64xf32>
    %dot_general3A_27 = arith.constant dense<0.000000e+00> : vector<10000x64xf32>
    %dot_general3A_28 = tpu.matmul %max3A_23, %get3A_26, %dot_general3A_27 {dimension_numbers = #tpu.dot_dimension_numbers<[1], [0], [0], [1], [0, 0, 1, 1], [], []>, transpose_lhs_hint = false} : vector<10000x64xf32>, vector<64x64xf32>, vector<10000x64xf32> -> vector<10000x64xf32>
    %get3A_29 = arith.constant 0 : index
    %get3A_30 = arith.constant 0 : index
    %get3A_31 = vector.load %arg5[%get3A_29, %get3A_30] : memref<1x64xf32, #tpu.memory_space<vmem>>, vector<1x64xf32>
    %add3A_32 = vector.broadcast %get3A_31 : vector<1x64xf32> to vector<10000x64xf32>
    %add3A_33 = arith.addf %dot_general3A_28, %add3A_32 : vector<10000x64xf32>
    %max3A_34 = arith.constant 0.000000e+00 : f32
    %max3A_35 = vector.broadcast %max3A_34 : f32 to vector<10000x64xf32>
    %max3A_36 = arith.maximumf %add3A_33, %max3A_35 : vector<10000x64xf32>
    %reduce_sum3A = arith.constant dense<0.000000e+00> : vector<64xf32>
    %reduce_sum3A_37 = vector.multi_reduction <add>, %max3A_36, %reduce_sum3A [0] : vector<10000x64xf32> to vector<64xf32>
    %broadcast_in_dim3A = vector.shape_cast %reduce_sum3A_37 : vector<64xf32> to vector<1x64xf32>
    %div3A = arith.constant 1.000000e+04 : f32
    %div3A_38 = vector.broadcast %div3A : f32 to vector<1x64xf32>
    %div3A_39 = arith.divf %broadcast_in_dim3A, %div3A_38 : vector<1x64xf32>
    %sub3A = vector.broadcast %div3A_39 : vector<1x64xf32> to vector<10000x64xf32>
    %sub3A_40 = arith.subf %max3A_36, %sub3A : vector<10000x64xf32>
    %integer_pow3A = arith.mulf %sub3A_40, %sub3A_40 : vector<10000x64xf32>
    %reduce_sum3A_41 = arith.constant dense<0.000000e+00> : vector<64xf32>
    %reduce_sum3A_42 = vector.multi_reduction <add>, %integer_pow3A, %reduce_sum3A_41 [0] : vector<10000x64xf32> to vector<64xf32>
    %broadcast_in_dim3A_43 = vector.shape_cast %reduce_sum3A_42 : vector<64xf32> to vector<1x64xf32>
    %div3A_44 = arith.constant 1.000000e+04 : f32
    %div3A_45 = vector.broadcast %div3A_44 : f32 to vector<1x64xf32>
    %div3A_46 = arith.divf %broadcast_in_dim3A_43, %div3A_45 : vector<1x64xf32>
    %sub3A_47 = vector.broadcast %div3A_39 : vector<1x64xf32> to vector<10000x64xf32>
    %sub3A_48 = arith.subf %max3A_36, %sub3A_47 : vector<10000x64xf32>
    %add3A_49 = arith.constant 9.99999974E-6 : f32
    %add3A_50 = vector.broadcast %add3A_49 : f32 to vector<1x64xf32>
    %add3A_51 = arith.addf %div3A_46, %add3A_50 : vector<1x64xf32>
    %sqrt3A = math.sqrt %add3A_51 : vector<1x64xf32>
    %div3A_52 = vector.broadcast %sqrt3A : vector<1x64xf32> to vector<10000x64xf32>
    %div3A_53 = arith.divf %sub3A_48, %div3A_52 : vector<10000x64xf32>
    %get3A_54 = arith.constant 0 : index
    %get3A_55 = arith.constant 0 : index
    %get3A_56 = vector.load %arg6[%get3A_54, %get3A_55] : memref<1x64xf32, #tpu.memory_space<vmem>>, vector<1x64xf32>
    %mul3A = vector.broadcast %get3A_56 : vector<1x64xf32> to vector<10000x64xf32>
    %mul3A_57 = arith.mulf %div3A_53, %mul3A : vector<10000x64xf32>
    %get3A_58 = arith.constant 0 : index
    %get3A_59 = arith.constant 0 : index
    %get3A_60 = vector.load %arg7[%get3A_58, %get3A_59] : memref<1x64xf32, #tpu.memory_space<vmem>>, vector<1x64xf32>
    %add3A_61 = vector.broadcast %get3A_60 : vector<1x64xf32> to vector<10000x64xf32>
    %add3A_62 = arith.addf %mul3A_57, %add3A_61 : vector<10000x64xf32>
    %max3A_63 = arith.constant 0.000000e+00 : f32
    %max3A_64 = vector.broadcast %max3A_63 : f32 to vector<10000x64xf32>
    %max3A_65 = arith.maximumf %add3A_62, %max3A_64 : vector<10000x64xf32>
    %swap3A = arith.constant 0 : index
    %swap3A_66 = arith.constant 0 : index
    %swap3A_67 = vector.load %arg8[%swap3A, %swap3A_66] : memref<10000x64xf32, #tpu.memory_space<vmem>>, vector<10000x64xf32>
    tpu.vector_store %arg8[%swap3A, %swap3A_66], %max3A_65 {strides = array<i32>} : memref<10000x64xf32, #tpu.memory_space<vmem>>, vector<10000x64xf32>,
    return
  }
}

module attributes {stable_mosaic.version = 14 : i64} {
  func.func @_final_body(%arg0: memref<10000x64xf32, #tpu.memory_space<vmem>>, %arg1: memref<2x10240x64xf32, #tpu.memory_space<vmem>>, %arg2: memref<64x64xf32, #tpu.memory_space<vmem>>, %arg3: memref<1x64xf32, #tpu.memory_space<vmem>>, %arg4: memref<64x64xf32, #tpu.memory_space<vmem>>, %arg5: memref<1x64xf32, #tpu.memory_space<vmem>>, %arg6: memref<1x64xf32, #tpu.memory_space<vmem>>, %arg7: memref<1x64xf32, #tpu.memory_space<vmem>>, %arg8: memref<1x10000xi32, #tpu.memory_space<vmem>>, %arg9: memref<64x1xf32, #tpu.memory_space<vmem>>, %arg10: memref<1x1xf32, #tpu.memory_space<vmem>>, %arg11: memref<64x1xf32, #tpu.memory_space<vmem>>) attributes {dimension_semantics = [], scalar_prefetch = 0 : i64, scratch_operands = 0 : i64, tpu.core_type = #tpu.core_type<tc>} {
    %get3A = arith.constant 0 : index
    %get3A_0 = arith.constant 0 : index
    %get3A_1 = vector.load %arg0[%get3A, %get3A_0] : memref<10000x64xf32, #tpu.memory_space<vmem>>, vector<10000x64xf32>
    %get3A_2 = arith.constant 0 : index
    %get3A_3 = arith.constant 0 : index
    %get3A_4 = arith.constant 0 : index
    %get3A_5 = vector.load %arg1[%get3A_2, %get3A_3, %get3A_4] : memref<2x10240x64xf32, #tpu.memory_space<vmem>>, vector<1x10000x64xf32>
    %get3A_6 = vector.shape_cast %get3A_5 : vector<1x10000x64xf32> to vector<10000x64xf32>
    %get3A_7 = arith.constant 1 : index
    %get3A_8 = arith.constant 0 : index
    %get3A_9 = arith.constant 0 : index
    %get3A_10 = vector.load %arg1[%get3A_7, %get3A_8, %get3A_9] : memref<2x10240x64xf32, #tpu.memory_space<vmem>>, vector<1x10000x64xf32>
    %get3A_11 = vector.shape_cast %get3A_10 : vector<1x10000x64xf32> to vector<10000x64xf32>
    %add3A = arith.addf %get3A_6, %get3A_11 : vector<10000x64xf32>
    %add3A_12 = arith.addf %get3A_1, %add3A : vector<10000x64xf32>
    %get3A_13 = arith.constant 0 : index
    %get3A_14 = arith.constant 0 : index
    %get3A_15 = vector.load %arg2[%get3A_13, %get3A_14] : memref<64x64xf32, #tpu.memory_space<vmem>>, vector<64x64xf32>
    %dot_general3A = arith.constant dense<0.000000e+00> : vector<10000x64xf32>
    %dot_general3A_16 = tpu.matmul %add3A_12, %get3A_15, %dot_general3A {dimension_numbers = #tpu.dot_dimension_numbers<[1], [0], [0], [1], [0, 0, 1, 1], [], []>, transpose_lhs_hint = false} : vector<10000x64xf32>, vector<64x64xf32>, vector<10000x64xf32> -> vector<10000x64xf32>
    %get3A_17 = arith.constant 0 : index
    %get3A_18 = arith.constant 0 : index
    %get3A_19 = vector.load %arg3[%get3A_17, %get3A_18] : memref<1x64xf32, #tpu.memory_space<vmem>>, vector<1x64xf32>
    %add3A_20 = vector.broadcast %get3A_19 : vector<1x64xf32> to vector<10000x64xf32>
    %add3A_21 = arith.addf %dot_general3A_16, %add3A_20 : vector<10000x64xf32>
    %max3A = arith.constant 0.000000e+00 : f32
    %max3A_22 = vector.broadcast %max3A : f32 to vector<10000x64xf32>
    %max3A_23 = arith.maximumf %add3A_21, %max3A_22 : vector<10000x64xf32>
    %get3A_24 = arith.constant 0 : index
    %get3A_25 = arith.constant 0 : index
    %get3A_26 = vector.load %arg4[%get3A_24, %get3A_25] : memref<64x64xf32, #tpu.memory_space<vmem>>, vector<64x64xf32>
    %dot_general3A_27 = arith.constant dense<0.000000e+00> : vector<10000x64xf32>
    %dot_general3A_28 = tpu.matmul %max3A_23, %get3A_26, %dot_general3A_27 {dimension_numbers = #tpu.dot_dimension_numbers<[1], [0], [0], [1], [0, 0, 1, 1], [], []>, transpose_lhs_hint = false} : vector<10000x64xf32>, vector<64x64xf32>, vector<10000x64xf32> -> vector<10000x64xf32>
    %get3A_29 = arith.constant 0 : index
    %get3A_30 = arith.constant 0 : index
    %get3A_31 = vector.load %arg5[%get3A_29, %get3A_30] : memref<1x64xf32, #tpu.memory_space<vmem>>, vector<1x64xf32>
    %add3A_32 = vector.broadcast %get3A_31 : vector<1x64xf32> to vector<10000x64xf32>
    %add3A_33 = arith.addf %dot_general3A_28, %add3A_32 : vector<10000x64xf32>
    %max3A_34 = arith.constant 0.000000e+00 : f32
    %max3A_35 = vector.broadcast %max3A_34 : f32 to vector<10000x64xf32>
    %max3A_36 = arith.maximumf %add3A_33, %max3A_35 : vector<10000x64xf32>
    %reduce_sum3A = arith.constant dense<0.000000e+00> : vector<64xf32>
    %reduce_sum3A_37 = vector.multi_reduction <add>, %max3A_36, %reduce_sum3A [0] : vector<10000x64xf32> to vector<64xf32>
    %broadcast_in_dim3A = vector.shape_cast %reduce_sum3A_37 : vector<64xf32> to vector<1x64xf32>
    %div3A = arith.constant 1.000000e+04 : f32
    %div3A_38 = vector.broadcast %div3A : f32 to vector<1x64xf32>
    %div3A_39 = arith.divf %broadcast_in_dim3A, %div3A_38 : vector<1x64xf32>
    %sub3A = vector.broadcast %div3A_39 : vector<1x64xf32> to vector<10000x64xf32>
    %sub3A_40 = arith.subf %max3A_36, %sub3A : vector<10000x64xf32>
    %integer_pow3A = arith.mulf %sub3A_40, %sub3A_40 : vector<10000x64xf32>
    %reduce_sum3A_41 = arith.constant dense<0.000000e+00> : vector<64xf32>
    %reduce_sum3A_42 = vector.multi_reduction <add>, %integer_pow3A, %reduce_sum3A_41 [0] : vector<10000x64xf32> to vector<64xf32>
    %broadcast_in_dim3A_43 = vector.shape_cast %reduce_sum3A_42 : vector<64xf32> to vector<1x64xf32>
    %div3A_44 = arith.constant 1.000000e+04 : f32
    %div3A_45 = vector.broadcast %div3A_44 : f32 to vector<1x64xf32>
    %div3A_46 = arith.divf %broadcast_in_dim3A_43, %div3A_45 : vector<1x64xf32>
    %sub3A_47 = vector.broadcast %div3A_39 : vector<1x64xf32> to vector<10000x64xf32>
    %sub3A_48 = arith.subf %max3A_36, %sub3A_47 : vector<10000x64xf32>
    %add3A_49 = arith.constant 9.99999974E-6 : f32
    %add3A_50 = vector.broadcast %add3A_49 : f32 to vector<1x64xf32>
    %add3A_51 = arith.addf %div3A_46, %add3A_50 : vector<1x64xf32>
    %sqrt3A = math.sqrt %add3A_51 : vector<1x64xf32>
    %div3A_52 = vector.broadcast %sqrt3A : vector<1x64xf32> to vector<10000x64xf32>
    %div3A_53 = arith.divf %sub3A_48, %div3A_52 : vector<10000x64xf32>
    %get3A_54 = arith.constant 0 : index
    %get3A_55 = arith.constant 0 : index
    %get3A_56 = vector.load %arg6[%get3A_54, %get3A_55] : memref<1x64xf32, #tpu.memory_space<vmem>>, vector<1x64xf32>
    %mul3A = vector.broadcast %get3A_56 : vector<1x64xf32> to vector<10000x64xf32>
    %mul3A_57 = arith.mulf %div3A_53, %mul3A : vector<10000x64xf32>
    %get3A_58 = arith.constant 0 : index
    %get3A_59 = arith.constant 0 : index
    %get3A_60 = vector.load %arg7[%get3A_58, %get3A_59] : memref<1x64xf32, #tpu.memory_space<vmem>>, vector<1x64xf32>
    %add3A_61 = vector.broadcast %get3A_60 : vector<1x64xf32> to vector<10000x64xf32>
    %add3A_62 = arith.addf %mul3A_57, %add3A_61 : vector<10000x64xf32>
    %max3A_63 = arith.constant 0.000000e+00 : f32
    %max3A_64 = vector.broadcast %max3A_63 : f32 to vector<10000x64xf32>
    %max3A_65 = arith.maximumf %add3A_62, %max3A_64 : vector<10000x64xf32>
    %iota3A = tpu.iota {dimensions = array<i32: 0>} : vector<64x10000xi32>
    %get3A_66 = arith.constant 0 : index
    %get3A_67 = arith.constant 0 : index
    %get3A_68 = vector.load %arg8[%get3A_66, %get3A_67] : memref<1x10000xi32, #tpu.memory_space<vmem>>, vector<1x10000xi32>
    %eq3A = vector.broadcast %get3A_68 : vector<1x10000xi32> to vector<64x10000xi32>
    %eq3A_69 = arith.cmpi eq, %iota3A, %eq3A : vector<64x10000xi32>
    %convert_element_type3A = arith.extui %eq3A_69 : vector<64x10000xi1> to vector<64x10000xi32>
    %convert_element_type3A_70 = arith.sitofp %convert_element_type3A : vector<64x10000xi32> to vector<64x10000xf32>
    %dot_general3A_71 = arith.constant dense<0.000000e+00> : vector<64x64xf32>
    %dot_general3A_72 = tpu.matmul %convert_element_type3A_70, %max3A_65, %dot_general3A_71 {dimension_numbers = #tpu.dot_dimension_numbers<[1], [0], [0], [1], [0, 0, 1, 1], [], []>, precision = #tpu.contract_precision<fp32>, transpose_lhs_hint = false} : vector<64x10000xf32>, vector<10000x64xf32>, vector<64x64xf32> -> vector<64x64xf32>
    %get3A_73 = arith.constant 0 : index
    %get3A_74 = arith.constant 0 : index
    %get3A_75 = vector.load %arg9[%get3A_73, %get3A_74] : memref<64x1xf32, #tpu.memory_space<vmem>>, vector<64x1xf32>
    %dot_general3A_76 = arith.constant dense<0.000000e+00> : vector<64x1xf32>
    %dot_general3A_77 = tpu.matmul %dot_general3A_72, %get3A_75, %dot_general3A_76 {dimension_numbers = #tpu.dot_dimension_numbers<[1], [0], [0], [1], [0, 0, 1, 1], [], []>, transpose_lhs_hint = false} : vector<64x64xf32>, vector<64x1xf32>, vector<64x1xf32> -> vector<64x1xf32>
    %get3A_78 = arith.constant 0 : index
    %get3A_79 = arith.constant 0 : index
    %get3A_80 = vector.load %arg10[%get3A_78, %get3A_79] : memref<1x1xf32, #tpu.memory_space<vmem>>, vector<1x1xf32>
    %add3A_81 = vector.broadcast %get3A_80 : vector<1x1xf32> to vector<64x1xf32>
    %add3A_82 = arith.addf %dot_general3A_77, %add3A_81 : vector<64x1xf32>
    %swap3A = arith.constant 0 : index
    %swap3A_83 = arith.constant 0 : index
    %swap3A_84 = vector.load %arg11[%swap3A, %swap3A_83] : memref<64x1xf32, #tpu.memory_space<vmem>>, vector<64x1xf32>
    tpu.vector_store %arg11[%swap3A, %swap3A_83], %add3A_82 {strides = array<i32>} : memref<64x1xf32, #tpu.memory_space<vmem>>, vector<64x1xf32>,
    return
  }
}

</mosaic_0001>

<sc_bundles>
// kernel: kernel.12.cloned.1.call-start
scs
__scs_entry_jumppad:
0x0: {  	(pc) =	sbr.rel $0x88, $3  }
0x1: {  	(tag) =	ssettag $0x0;
	lr =	simm.s32 $0x1  }
0x2: {  	[smem:$0x3F8A] =	sst lr;
	_ =	strace $0xD0000000  }
0x3: {  	_ = 	snop  }
0x4: {  	_ = 	snop  }
0x5: {  	_ = 	snop  }
0x6: {  	_ = 	snop  }
0x7: {  	_ = 	snop  }
__scs_overlays_trampoline_lowered:
0x8: {  	[smem:$0x3F99] =	sst s0  }
0x9: {  	[smem:$0x3F9A] =	sst s1  }
0xa: {  	[smem:$0x3F9B] =	sst s2  }
0xb: {  	[smem:$0x3F9C] =	sst s3  }
0xc: {  	[smem:$0x3F9D] =	sst s4  }
0xd: {  	[smem:$0x3F9E] =	sst s5  }
0xe: {  	[smem:$0x3F9F] =	sst s6  }
0xf: {  	[smem:$0x3FA0] =	sst s7  }
0x10: {  	[smem:$0x3FA1] =	sst s8  }
0x11: {  	[smem:$0x3FA2] =	sst s9;
	s0 =	simm.s32 @!p0 $0x0  }
0x12: {  	s1 =	sld [smem:$0x3F88];
	s0 =	simm.s32 @p0 $0x1  }
0x13: {  	[smem:$0x3FA3] =	sst s0;
	s0 =	simm.s32 @!p1 $0x0  }
0x14: {  	s2 =	sld [smem:$0x3F87];
	s0 =	simm.s32 @p1 $0x1  }
0x15: {  	[smem:$0x3FA4] =	sst s0;
	s0 =	simm.s32 @!p2 $0x0  }
0x16: {  	s3 =	sld [smem:$0x3FDB];
	s0 =	simm.s32 @p2 $0x1  }
0x17: {  	s4 =	simm.s32 $0x1BF5;
	[smem:$0x3FA6] =	sst s0  }
0x18: {  	s0 =	sld [smem:$0x3F89];
	_ =	swait.ge [sflag:s4], $0x0  }
0x19: {  	s7 =	sld [smem:$0x3F8A]  }
0x1a: {  	s8 =	sadd.s32 $0xFFFFE003, lr  }
0x1b: {  	s9 =	sadd.s32 $0xFFFFFEF7, lr;
	s5 =	simm.s32 $0xFFFFFFFF;
	p2 =	slt.u32 s8, $0xFFFFF086  }
0x1c: {  	p1 =	slt.u32 s9, $0xF7A;
	s5 =	simm.s32 @!p2 $0x0  }
0x1d: {  	s5 =	simm.s32 @p1 $0x1;
	p0 =	seq.s32 s7, s2  }
0x1e: {  	s7 =	smul.u32 @!p0 $0xF7A, s2;
	p2 =	seq.s32 @!p0 s5, $0x0  }
0x1f: {  	s9 =	smul.u32 $0xF7A, s1;
	s8 =	simm.s32 @!p0 $0x1BF5;
	p2 =	por !p2, p0  }
0x20: {  	[sflag:s8] =	ssyncset.s32 @!p0 $0xFFFFF086;
	s6 =	sadd.s32 @!p0 s3, s7;
	s7 =	simm.s32 @!p0 $0x108  }
0x21: {  	s3 =	sadd.s32 s3, s9;
	s6 =	sadd.s32 @!p0 $0x88, s6;
	s7 =	simm.s32 @p2 $0x1082  }
0x22: {  	[simem:s7], [sflag:s8] =	dma.local @!p0 [hbm:s6], $0xF7A  }
0x23: {  	s9 =	sor.u32 $0xD0000000, s2;
	s6 =	simm.s32 $0x108;
	_ =	swait.ge @!p0 [sflag:s8], $0x0  }
0x24: {  	s3 =	sadd.s32 $0x88, s3;
	s6 =	simm.s32 @!p1 $0x1082;
	[sflag:s4] =	ssyncset.s32 $0xFFFFF086  }
0x25: {  	[simem:s6], [sflag:s4] =	dma.local [hbm:s3], $0xF7A  }
0x26: {  	[smem:$0x3F8A] =	sst s1;
	(tag) =	ssettag s2;
	_ =	strace s9  }
0x27: {  	s1 =	sld [smem:$0x3F9A]  }
0x28: {  	s2 =	sld [smem:$0x3F9B]  }
0x29: {  	s4 =	sld [smem:$0x3F9D]  }
0x2a: {  	p0 =	seq.s32 s5, $0x0;
	s5 =	sld [smem:$0x3F9E]  }
0x2b: {  	s6 =	sld [smem:$0x3F9F]  }
0x2c: {  	s7 =	sld [smem:$0x3FA0]  }
0x2d: {  	s3 =	simm.s32 $0x108;
	s8 =	sld [smem:$0x3FA1]  }
0x2e: {  	s3 =	simm.s32 @!p0 $0x1082;
	s9 =	sld [smem:$0x3FA2]  }
0x2f: {  	lr =	sadd.s32 s0, s3;
	s0 =	sld [smem:$0x3F99]  }
0x30: {  	s3 =	sld [smem:$0x3F9C]  }
0x31: {  	[smem:$0x3FA5] =	sst s10  }
0x32: {  	s10 =	sld [smem:$0x3FA3];
	_ =	sdelay $0x3  }
0x33: {  	p0 =	seq.s32 s10, $0x1;
	s10 =	sld [smem:$0x3FA5];
	_ =	sdelay $0x3  }
0x34: {  	[smem:$0x3FA5] =	sst s10  }
0x35: {  	s10 =	sld [smem:$0x3FA4];
	_ =	sdelay $0x3  }
0x36: {  	p1 =	seq.s32 s10, $0x1;
	s10 =	sld [smem:$0x3FA5];
	_ =	sdelay $0x3  }
0x37: {  	[smem:$0x3FA5] =	sst s10  }
0x38: {  	s10 =	sld [smem:$0x3FA6]  }
0x39: {  	_ = 	snop;
	(pc) =	sbr.ind lr, $3  }
0x3a: {  	_ = 	snop  }
0x3b: {  	_ = 	snop  }
0x3c: {  	p2 =	seq.s32 s10, $0x1;
	s10 =	sld [smem:$0x3FA5]  }
0x3d: {  	_ =	shalt  }
0x3e: {  	_ =	shalt  }
0x3f: {  	_ =	shalt  }
0x40: {  	_ =	shalt  }
0x41: {  	_ =	shalt  }
0x42: {  	_ =	shalt  }
0x43: {  	_ =	shalt  }
0x44: {  	_ =	shalt  }
0x45: {  	_ =	shalt  }
0x46: {  	_ =	shalt  }
0x47: {  	_ =	shalt  }
0x48: {  	_ =	shalt  }
0x49: {  	_ =	shalt  }
0x4a: {  	_ =	shalt  }
0x4b: {  	_ =	shalt  }
0x4c: {  	_ =	shalt  }
0x4d: {  	_ =	shalt  }
0x4e: {  	_ =	shalt  }
0x4f: {  	_ =	shalt  }
0x50: {  	_ =	shalt  }
0x51: {  	_ =	shalt  }
0x52: {  	_ =	shalt  }
0x53: {  	_ =	shalt  }
0x54: {  	_ =	shalt  }
0x55: {  	_ =	shalt  }
0x56: {  	_ =	shalt  }
0x57: {  	_ =	shalt  }
0x58: {  	_ =	shalt  }
0x59: {  	_ =	shalt  }
0x5a: {  	_ =	shalt  }
0x5b: {  	_ =	shalt  }
0x5c: {  	_ =	shalt  }
0x5d: {  	_ =	shalt  }
0x5e: {  	_ =	shalt  }
0x5f: {  	_ =	shalt  }
0x60: {  	_ =	shalt  }
0x61: {  	_ =	shalt  }
0x62: {  	_ =	shalt  }
0x63: {  	_ =	shalt  }
0x64: {  	_ =	shalt  }
0x65: {  	_ =	shalt  }
0x66: {  	_ =	shalt  }
0x67: {  	_ =	shalt  }
0x68: {  	_ =	shalt  }
0x69: {  	_ =	shalt  }
0x6a: {  	_ =	shalt  }
0x6b: {  	_ =	shalt  }
0x6c: {  	_ =	shalt  }
0x6d: {  	_ =	shalt  }
0x6e: {  	_ =	shalt  }
0x6f: {  	_ =	shalt  }
0x70: {  	_ =	shalt  }
0x71: {  	_ =	shalt  }
0x72: {  	_ =	shalt  }
0x73: {  	_ =	shalt  }
0x74: {  	_ =	shalt  }
0x75: {  	_ =	shalt  }
0x76: {  	_ =	shalt  }
0x77: {  	_ =	shalt  }
0x78: {  	_ =	shalt  }
0x79: {  	_ =	shalt  }
0x7a: {  	_ =	shalt  }
0x7b: {  	_ =	shalt  }
0x7c: {  	_ =	shalt  }
0x7d: {  	_ =	shalt  }
0x7e: {  	_ =	shalt  }
0x7f: {  	_ =	shalt  }
0x80: {  	_ =	shalt  }
0x81: {  	_ =	shalt  }
0x82: {  	_ =	shalt  }
0x83: {  	_ =	shalt  }
0x84: {  	_ =	shalt  }
0x85: {  	_ =	shalt  }
0x86: {  	_ =	shalt  }
0x87: {  	_ =	shalt  }
.Lfunc_end0:
.L_simem_size_0:
called_computation.1_lowered:
.L_overlay_start_0:
0x88: {  	s2 =	sld [smem:$0x3FD9]  }
0x89: {  	s3 =	sld [smem:$0x3FFE];
	_ =	sdelay $0x1  }
0x8a: {  	s1 =	srdreg.scid  }
0x8b: {  	s0 =	sand.u32 $0x1, s1  }
0x8c: {  	s16 =	sshll.u32 s0, $0xA;
	s2 =	sadd.s32 s3, s2  }
0x8d: {  	s2 =	sadd.s32 s2, s16  }
0x8e: {  	[smem:$0x3FB1] =	sst s2  }
0x8f: {  	_ = 	snop  }
0x90: {  	(tm) =	ssettm $0x1  }
0x91: {  	s17 =	sld [smem:$0x3FFB];
	_ =	sdelay $0x3  }
0x92: {  	_ =	strace s17  }
0x93: {  	s2 =	sld [smem:$0x3FFC];
	_ =	sdelay $0x3  }
0x94: {  	_ =	strace s2  }
0x95: {  	s2 =	sld [smem:$0x3FFD];
	_ =	sdelay $0x3  }
0x96: {  	_ =	strace s2  }
0x97: {  	_ =	strace $0x8FFFFFFF  }
0x98: {  	s18 =	sld [smem:$0x3FDB];
	_ =	sdelay $0x1  }
0x99: {  	s19 =	simm.s32 $_scs_section_size  }
0x9a: {  	s4 =	simm.s32 $_size__tile_overlayer_lowered;
	s5 =	simm.s32 $_tile_overlayer_lowered  }
0x9b: {  	s22 =	simm.s32 $0x1BFF;
	s21 =	sshll.u32 s5, $0x1;
	s2 =	sadd.s32 s19, s18  }
0x9c: {  	s6 =	simm.s32 $0x0;
	s20 =	sshll.u32 s4, $0x1;
	s4 =	sadd.s32 s21, s2  }
0x9d: {  	[timem:s6], [sflag:s22] =	dma.local [hbm:s4], s20  }
0x9e: {  	_ =	swait.ge [sflag:s22], s20  }
0x9f: {  	s3 =	ssub.s32 $0x0, s20;
	[sflag:s22] =	ssyncset.done $0x0  }
0xa0: {  	[sflag:s22] =	ssyncadd.s32 s3;
	_ =	sdelay $0x1  }
0xa1: {  	s23 =	simm.s32 $0x1B8B  }
0xa2: {  	_ =	swait.ge [sflag:s23], $0x1  }
0xa3: {  	[sflag:s23] =	ssyncset.done $0x0  }
0xa4: {  	s25 =	simm.s32 $0x1B8E;
	s24 =	sld [smem:$0x3FFE];
	[sflag:s23] =	ssyncadd.s32 $0xFFFFFFFF  }
0xa5: {  	s26 =	simm.s32 $execute0_lowered;
	[smem:$0x3FD2] =	sst s25  }
0xa6: {  	s4 =	sshll.u32 s26, $0x1;
	_ =	strace $0x80000046;
	[dreg:$0x1] =	wrdreg $0xFFFFFFFF  }
0xa7: {  	s28 =	simm.s32 $_size_execute0_lowered;
	s2 =	sadd.s32 s2, s4;
	[dreg:$0x0] =	wrdreg $0x0  }
0xa8: {  	s4 =	sshll.u32 s28, $0x1;
	[dreg:$0x2] =	wrdreg s2  }
0xa9: {  	[dreg:$0x3] =	wrdreg s4  }
0xaa: {  	[dreg:$0x4] =	wrdreg $0xC0  }
0xab: {  	_ =	task [dreg:s6], $0x5FFFF  }
0xac: {  	[dreg:$0x1] =	wrdreg $0xFFFFFFFF  }
0xad: {  	[dreg:$0x0] =	wrdreg $0x60  }
0xae: {  	[dreg:$0x2] =	wrdreg s24  }
0xaf: {  	[dreg:$0x3] =	wrdreg $0x0  }
0xb0: {  	[dreg:$0x4] =	wrdreg $0xA  }
0xb1: {  	_ =	task.clear_ibuf [dreg:s6], $0x5FFFF;
	_ =	strace $0x90000046  }
0xb2: {  	s29 =	simm.s32 $0xA;
	_ =	strace $0x80000048  }
0xb3: {  	_ =	swait.ge [sflag:s29], $0x1  }
0xb4: {  	[sflag:s29] =	ssyncadd.s32 $0xFFFFFFFF  }
0xb5: {  	_ =	strace $0x90000048  }
0xb6: {  	_ =	sfence  }
0xb7: {  	s30 =	sld [smem:$0x0];
	_ =	sdelay $0x2  }
0xb8: {  	s31 =	sshll.u32 s1, $0xD;
	s1 =	sshrl.u32 s1, $0x2  }
0xb9: {  	s3 =	sand.u32 $0x4000, s31;
	s1 =	sadd.s32 s1, s30  }
0xba: {  	s0 =	sor.u32 s3, s0;
	s1 =	sshll.u32 s1, $0x11  }
0xbb: {  	s0 =	sor.u32 s1, s0  }
0xbc: {  	s0 =	sadd.s32 $0x8F2B, s0  }
0xbd: {  	[sflag:s0] =	ssyncadd.remote.s32 $0x1  }
0xbe: {  	_ =	sfence.sel $0xFFFF  }
0xbf: {  	[dreg:$0x0] =	wrdreg $0xFFFFFFFF;
	(pc) =	sbr.abs _section_cstart, $3  }
0xc0: {  	[dreg:$0x1] =	wrdreg $0xFFFFFFFF  }
0xc1: {  	_ =	task.clear_ibuf [dreg:s6], $0x2FFFF;
	_ =	strace $0x9FFFFFFF  }
0xc2: {  	(tm) =	ssettm $0x7FFFFFFF  }
0xc3: {  	_ =	shalt  }
tec
execute0_lowered:
.L_overlay_start_1:
0x0: {  	(tag) =	ssettag $0x1  }
0x1: {  	s1 =	srdreg.scid;
	s6 =	rddreg [dreg:$0x0]  }
0x2: {  	s0 =	stileid.u32;
	s2 =	rddreg [dreg:$0x1];
	s3 =	simm.s32 $0x0  }
0x3: {  	s13 =	simm.s32 $0xA000;
	s14 =	simm.s32 $0xC800;
	s15 =	simm.s32 $0x80  }
0x4: {  	s16 =	simm.s32 $0xF000;
	s17 =	simm.s32 $0x1;
	s18 =	simm.s32 $0x0  }
0x5: {  	s5 =	sand.u32 $0x1, s1;
	s28 =	sshll.u32 s0, $0x1;
	s8 =	smul.u32 $0xA000, s0  }
0x6: {  	[smem:$0x7FF] =	sst s3;
	s1 =	sor.u32 s5, s28;
	s9 =	smul.u32 $0xA0000, s5  }
0x7: {  	s4 =	sadd.s32 $0x3400, s6;
	s5 =	ssub.s32 $0x2, s5;
	s7 =	smul.u32 $0x500, s1  }
0x8: {  	s1 =	rddreg [dreg:$0x2];
	_ =	strace $0x80000047;
	s30 =	sshrl.u32 s8, $0x3  }
0x9: {  	s31 =	sshrl.u32 s5, $0x1;
	s29 =	sadd.s32 s8, s9;
	s9 =	sadd.s32 s30, s6  }
0xa: {  	s12 =	ssub.s32 s5, s31;
	s10 =	sadd.s32 s7, s6;
	s7 =	sshrl.u32 s29, $0x3  }
0xb: {  	s5 =	sadd.s32 $0x2AE00, s9;
	s11 =	sadd.s32 s7, s6;
	s6 =	sadd.s32 s8, s2  }
0xc: {  	s7 =	sadd.s32 $0x20E00, s10;
	s8 =	sadd.s32 $0x16E00, s10;
	s10 =	smax.u32 s12, $0x1  }
0xd: {  	s12 =	simm.s32 $0x2;
	s9 =	sadd.s32 $0x3EE00, s11;
	s11 =	simm.s32 $0x11000  }
.LBB2_1:
0xe: {  	[tilespmem:s11], [sflag:$0x2] =	stream.linear.gather [hbm4b:s5+s3], $0xA000, $0x38;
	[tilespmem:$0x1B000] =	vst v63  }
0xf: {  	_ =	swait.ge [sflag:s12], $0xA000  }
0x10: {  	[sflag:s12] =	ssyncset.done $0x0  }
0x11: {  	[sflag:s12] =	ssyncadd.s32 $0xFFFF6000  }
0x12: {  	[spmem:s6] =	stream.linear.scatter [tilespmem:s11], [sflag:$0x2], $0xA000, $0x38;
	[tilespmem:$0x1B000] =	vst v63  }
0x13: {  	_ =	swait.ge [sflag:s12], $0xA000  }
0x14: {  	[sflag:s12] =	ssyncset.done $0x0  }
0x15: {  	[sflag:s12] =	ssyncadd.s32 $0xFFFF6000  }
0x16: {  	[tilespmem:s13], [sflag:$0x2] =	stream.linear.gather [hbm4b:s7+s3], $0x2800, $0x38;
	[tilespmem:$0x1B000] =	vst v63  }
0x17: {  	_ =	swait.ge [sflag:s12], $0x2800  }
0x18: {  	[sflag:s12] =	ssyncset.done $0x0  }
0x19: {  	[sflag:s12] =	ssyncadd.s32 $0xFFFFD800  }
0x1a: {  	[tilespmem:s14], [sflag:$0x2] =	stream.linear.gather [hbm4b:s8+s3], $0x2800, $0x38;
	[tilespmem:$0x1B000] =	vst v63  }
0x1b: {  	_ =	swait.ge [sflag:s12], $0x2800  }
0x1c: {  	[sflag:s12] =	ssyncset.done $0x0  }
0x1d: {  	[sflag:s12] =	ssyncadd.s32 $0xFFFFD800  }
0x1e: {  	s19 =	simm.s32 $0xA000;
	[bflag:$0x0] =	sbarrier.arrive $0xFFFF  }
0x1f: {  	[tilespmem:s16], [sflag:$0x1] =	stream.indirect.gather [hbm4b:s4+s15], $0x40, s19, s15, $0xb8;
	[tilespmem:$0x1B000] =	vst v63  }
0x20: {  	_ =	swait.ge [sflag:s17], $0x2000  }
0x21: {  	[sflag:s17] =	ssyncset.done $0x0  }
0x22: {  	s31 =	simm.s32 $0xC800;
	[sflag:s17] =	ssyncadd.s32 $0xFFFFE000  }
0x23: {  	[spmem:s2] =	stream.indirect.scatter.add.f32 [tilespmem:s16], [sflag:$0x2], $0x40, s31, s15, $0xb8;
	[tilespmem:$0x1B000] =	vst v63  }
0x24: {  	_ =	swait.ge [sflag:s12], $0x2000  }
0x25: {  	s20 =	simm.s32 $0x400;
	s19 =	simm.s32 $0x80;
	[sflag:s12] =	ssyncset.done $0x0  }
.LBB2_2:
0x26: {  	s21 =	sadd.s32 $0xA000, s19  }
0x27: {  	[sflag:s12] =	ssyncadd.s32 $0xFFFFE000;
	s22 =	smov.u32 s20;
	s23 =	sadd.s32 $0x200, s20  }
0x28: {  	[tilespmem:s16], [sflag:$0x1] =	stream.indirect.gather [hbm4b:s4+s15], $0x40, s21, s15, $0xb8;
	[tilespmem:$0x1B000] =	vst v63  }
0x29: {  	p0 =	sne.s32 s20, $0x9E00;
	_ =	swait.ge [sflag:s17], $0x2000  }
.Ltmp0:
0x2a: {  	[sflag:s17] =	ssyncset.done $0x0;
	(pc) =	sbr.rel @p0 .LBB2_2-.Ltmp0, $4  }
0x2b: {  	s19 =	sadd.s32 $0xC800, s19;
	[sflag:s17] =	ssyncadd.s32 $0xFFFFE000  }
0x2c: {  	[spmem:s2] =	stream.indirect.scatter.add.f32 [tilespmem:s16], [sflag:$0x2], $0x40, s19, s15, $0xb8;
	[tilespmem:$0x1B000] =	vst v63  }
0x2d: {  	_ =	swait.ge [sflag:s12], $0x2000  }
0x2e: {  	s20 =	smov.u32 s23;
	s19 =	sshra.s32 s22, $0x2;
	[sflag:s12] =	ssyncset.done $0x0  }
0x2f: {  	s20 =	sadd.s32 $0xA000, s19;
	[sflag:s12] =	ssyncadd.s32 $0xFFFFE000  }
0x30: {  	[tilespmem:s16], [sflag:$0x1] =	stream.indirect.gather [hbm4b:s4+s15], $0x40, s20, s15, $0xb8;
	[tilespmem:$0x1B000] =	vst v63  }
0x31: {  	_ =	swait.ge [sflag:s17], $0x2000  }
0x32: {  	[sflag:s17] =	ssyncset.done $0x0  }
0x33: {  	s31 =	sadd.s32 $0xC800, s19;
	[sflag:s17] =	ssyncadd.s32 $0xFFFFE000  }
0x34: {  	[spmem:s2] =	stream.indirect.scatter.add.f32 [tilespmem:s16], [sflag:$0x2], $0x40, s31, s15, $0xb8;
	[tilespmem:$0x1B000] =	vst v63  }
0x35: {  	_ =	swait.ge [sflag:s12], $0x2000  }
0x36: {  	[sflag:s12] =	ssyncset.done $0x0  }
0x37: {  	[sflag:s12] =	ssyncadd.s32 $0xFFFFE000  }
0x38: {  	[bflag:$0x0] =	sbarrier.arrive $0xFFFF  }
0x39: {  	[tilespmem:s11], [sflag:$0x2] =	stream.linear.gather [spmem:s6], $0xA000, $0x38;
	[tilespmem:$0x1B000] =	vst v63  }
0x3a: {  	s18 =	sadd.s32 $0x1, s18;
	_ =	swait.ge [sflag:s12], $0xA000  }
0x3b: {  	p0 =	sne.s32 s18, s10;
	[sflag:s12] =	ssyncset.done $0x0  }
.Ltmp1:
0x3c: {  	[sflag:s12] =	ssyncadd.s32 $0xFFFF6000;
	(pc) =	sbr.rel @p0 .LBB2_1-.Ltmp1, $4  }
0x3d: {  	[hbm4b:s9+s3] =	stream.linear.scatter [tilespmem:s11], [sflag:$0x2], $0xA000, $0x38;
	[tilespmem:$0x1B000] =	vst v63  }
0x3e: {  	_ =	swait.ge [sflag:s12], $0xA000  }
0x3f: {  	[sflag:s12] =	ssyncset.done $0x0  }
0x40: {  	[sflag:s12] =	ssyncadd.s32 $0xFFFF6000  }
0x41: {  	_ =	sfence.sel $0x180000  }
0x42: {  	[bflag:$0x0] =	sbarrier.arrive $0xFFFF  }
0x43: {  	p0 =	sne.s32 s0, $0x0;
	_ =	strace $0x90000047  }
0x44: {  	s0 =	sadd.s32 @!p0 $0x100000, s1;
	[bflag:$0x2] =	sbarrier.arrive $0xFFFF  }
0x45: {  	[sflag:s0] =	ssyncadd.tile.s32 @!p0 $0x1;
	_ =	shalt  }
.Lfunc_end2:
_tile_overlayer_lowered:
.L_overlay_start_2:
0x46: {  	(tag) =	ssettag $0x2  }
0x47: {  	s0 =	rddreg [dreg:$0x0];
	s2 =	stileid.u32  }
0x48: {  	s1 =	rddreg [dreg:$0x1];
	p0 =	sne.s32 s2, $0x0  }
0x49: {  	s3 =	rddreg [dreg:$0x2];
	[bflag:$0x3] =	sbarrier.arrive $0xFFFF;
	s2 =	simm.s32 @!p0 $0x1C02  }
0x4a: {  	[timem:s3], [sflag:s2] =	dma.local @!p0 [hbm:s0], s1  }
0x4b: {  	s0 =	simm.s32 @!p0 $0x2  }
0x4c: {  	_ =	swait.ge @!p0 [sflag:s0], s1  }
0x4d: {  	s1 =	ssub.s32 @!p0 $0x0, s1;
	[sflag:s0] =	ssyncset.done @!p0 $0x0  }
0x4e: {  	[sflag:s0] =	ssyncadd.s32 @!p0 s1  }
0x4f: {  	[bflag:$0x3] =	sbarrier.arrive $0xFFFF  }
0x50: {  	_ =	shalt  }

// kernel: kernel.15.cloned.1.call-start
scs
__scs_entry_jumppad:
0x0: {  	(pc) =	sbr.rel $0x88, $3  }
0x1: {  	(tag) =	ssettag $0x0;
	lr =	simm.s32 $0x1  }
0x2: {  	[smem:$0x3F8A] =	sst lr;
	_ =	strace $0xD0000000  }
0x3: {  	_ = 	snop  }
0x4: {  	_ = 	snop  }
0x5: {  	_ = 	snop  }
0x6: {  	_ = 	snop  }
0x7: {  	_ = 	snop  }
__scs_overlays_trampoline_lowered:
0x8: {  	[smem:$0x3F99] =	sst s0  }
0x9: {  	[smem:$0x3F9A] =	sst s1  }
0xa: {  	[smem:$0x3F9B] =	sst s2  }
0xb: {  	[smem:$0x3F9C] =	sst s3  }
0xc: {  	[smem:$0x3F9D] =	sst s4  }
0xd: {  	[smem:$0x3F9E] =	sst s5  }
0xe: {  	[smem:$0x3F9F] =	sst s6  }
0xf: {  	[smem:$0x3FA0] =	sst s7  }
0x10: {  	[smem:$0x3FA1] =	sst s8  }
0x11: {  	[smem:$0x3FA2] =	sst s9;
	s0 =	simm.s32 @!p0 $0x0  }
0x12: {  	s1 =	sld [smem:$0x3F88];
	s0 =	simm.s32 @p0 $0x1  }
0x13: {  	[smem:$0x3FA3] =	sst s0;
	s0 =	simm.s32 @!p1 $0x0  }
0x14: {  	s2 =	sld [smem:$0x3F87];
	s0 =	simm.s32 @p1 $0x1  }
0x15: {  	[smem:$0x3FA4] =	sst s0;
	s0 =	simm.s32 @!p2 $0x0  }
0x16: {  	s3 =	sld [smem:$0x3FDB];
	s0 =	simm.s32 @p2 $0x1  }
0x17: {  	s4 =	simm.s32 $0x1BF5;
	[smem:$0x3FA6] =	sst s0  }
0x18: {  	s0 =	sld [smem:$0x3F89];
	_ =	swait.ge [sflag:s4], $0x0  }
0x19: {  	s7 =	sld [smem:$0x3F8A]  }
0x1a: {  	s8 =	sadd.s32 $0xFFFFE003, lr  }
0x1b: {  	s9 =	sadd.s32 $0xFFFFFEF7, lr;
	s5 =	simm.s32 $0xFFFFFFFF;
	p2 =	slt.u32 s8, $0xFFFFF086  }
0x1c: {  	p1 =	slt.u32 s9, $0xF7A;
	s5 =	simm.s32 @!p2 $0x0  }
0x1d: {  	s5 =	simm.s32 @p1 $0x1;
	p0 =	seq.s32 s7, s2  }
0x1e: {  	s7 =	smul.u32 @!p0 $0xF7A, s2;
	p2 =	seq.s32 @!p0 s5, $0x0  }
0x1f: {  	s9 =	smul.u32 $0xF7A, s1;
	s8 =	simm.s32 @!p0 $0x1BF5;
	p2 =	por !p2, p0  }
0x20: {  	[sflag:s8] =	ssyncset.s32 @!p0 $0xFFFFF086;
	s6 =	sadd.s32 @!p0 s3, s7;
	s7 =	simm.s32 @!p0 $0x108  }
0x21: {  	s3 =	sadd.s32 s3, s9;
	s6 =	sadd.s32 @!p0 $0x88, s6;
	s7 =	simm.s32 @p2 $0x1082  }
0x22: {  	[simem:s7], [sflag:s8] =	dma.local @!p0 [hbm:s6], $0xF7A  }
0x23: {  	s9 =	sor.u32 $0xD0000000, s2;
	s6 =	simm.s32 $0x108;
	_ =	swait.ge @!p0 [sflag:s8], $0x0  }
0x24: {  	s3 =	sadd.s32 $0x88, s3;
	s6 =	simm.s32 @!p1 $0x1082;
	[sflag:s4] =	ssyncset.s32 $0xFFFFF086  }
0x25: {  	[simem:s6], [sflag:s4] =	dma.local [hbm:s3], $0xF7A  }
0x26: {  	[smem:$0x3F8A] =	sst s1;
	(tag) =	ssettag s2;
	_ =	strace s9  }
0x27: {  	s1 =	sld [smem:$0x3F9A]  }
0x28: {  	s2 =	sld [smem:$0x3F9B]  }
0x29: {  	s4 =	sld [smem:$0x3F9D]  }
0x2a: {  	p0 =	seq.s32 s5, $0x0;
	s5 =	sld [smem:$0x3F9E]  }
0x2b: {  	s6 =	sld [smem:$0x3F9F]  }
0x2c: {  	s7 =	sld [smem:$0x3FA0]  }
0x2d: {  	s3 =	simm.s32 $0x108;
	s8 =	sld [smem:$0x3FA1]  }
0x2e: {  	s3 =	simm.s32 @!p0 $0x1082;
	s9 =	sld [smem:$0x3FA2]  }
0x2f: {  	lr =	sadd.s32 s0, s3;
	s0 =	sld [smem:$0x3F99]  }
0x30: {  	s3 =	sld [smem:$0x3F9C]  }
0x31: {  	[smem:$0x3FA5] =	sst s10  }
0x32: {  	s10 =	sld [smem:$0x3FA3];
	_ =	sdelay $0x3  }
0x33: {  	p0 =	seq.s32 s10, $0x1;
	s10 =	sld [smem:$0x3FA5];
	_ =	sdelay $0x3  }
0x34: {  	[smem:$0x3FA5] =	sst s10  }
0x35: {  	s10 =	sld [smem:$0x3FA4];
	_ =	sdelay $0x3  }
0x36: {  	p1 =	seq.s32 s10, $0x1;
	s10 =	sld [smem:$0x3FA5];
	_ =	sdelay $0x3  }
0x37: {  	[smem:$0x3FA5] =	sst s10  }
0x38: {  	s10 =	sld [smem:$0x3FA6]  }
0x39: {  	_ = 	snop;
	(pc) =	sbr.ind lr, $3  }
0x3a: {  	_ = 	snop  }
0x3b: {  	_ = 	snop  }
0x3c: {  	p2 =	seq.s32 s10, $0x1;
	s10 =	sld [smem:$0x3FA5]  }
0x3d: {  	_ =	shalt  }
0x3e: {  	_ =	shalt  }
0x3f: {  	_ =	shalt  }
0x40: {  	_ =	shalt  }
0x41: {  	_ =	shalt  }
0x42: {  	_ =	shalt  }
0x43: {  	_ =	shalt  }
0x44: {  	_ =	shalt  }
0x45: {  	_ =	shalt  }
0x46: {  	_ =	shalt  }
0x47: {  	_ =	shalt  }
0x48: {  	_ =	shalt  }
0x49: {  	_ =	shalt  }
0x4a: {  	_ =	shalt  }
0x4b: {  	_ =	shalt  }
0x4c: {  	_ =	shalt  }
0x4d: {  	_ =	shalt  }
0x4e: {  	_ =	shalt  }
0x4f: {  	_ =	shalt  }
0x50: {  	_ =	shalt  }
0x51: {  	_ =	shalt  }
0x52: {  	_ =	shalt  }
0x53: {  	_ =	shalt  }
0x54: {  	_ =	shalt  }
0x55: {  	_ =	shalt  }
0x56: {  	_ =	shalt  }
0x57: {  	_ =	shalt  }
0x58: {  	_ =	shalt  }
0x59: {  	_ =	shalt  }
0x5a: {  	_ =	shalt  }
0x5b: {  	_ =	shalt  }
0x5c: {  	_ =	shalt  }
0x5d: {  	_ =	shalt  }
0x5e: {  	_ =	shalt  }
0x5f: {  	_ =	shalt  }
0x60: {  	_ =	shalt  }
0x61: {  	_ =	shalt  }
0x62: {  	_ =	shalt  }
0x63: {  	_ =	shalt  }
0x64: {  	_ =	shalt  }
0x65: {  	_ =	shalt  }
0x66: {  	_ =	shalt  }
0x67: {  	_ =	shalt  }
0x68: {  	_ =	shalt  }
0x69: {  	_ =	shalt  }
0x6a: {  	_ =	shalt  }
0x6b: {  	_ =	shalt  }
0x6c: {  	_ =	shalt  }
0x6d: {  	_ =	shalt  }
0x6e: {  	_ =	shalt  }
0x6f: {  	_ =	shalt  }
0x70: {  	_ =	shalt  }
0x71: {  	_ =	shalt  }
0x72: {  	_ =	shalt  }
0x73: {  	_ =	shalt  }
0x74: {  	_ =	shalt  }
0x75: {  	_ =	shalt  }
0x76: {  	_ =	shalt  }
0x77: {  	_ =	shalt  }
0x78: {  	_ =	shalt  }
0x79: {  	_ =	shalt  }
0x7a: {  	_ =	shalt  }
0x7b: {  	_ =	shalt  }
0x7c: {  	_ =	shalt  }
0x7d: {  	_ =	shalt  }
0x7e: {  	_ =	shalt  }
0x7f: {  	_ =	shalt  }
0x80: {  	_ =	shalt  }
0x81: {  	_ =	shalt  }
0x82: {  	_ =	shalt  }
0x83: {  	_ =	shalt  }
0x84: {  	_ =	shalt  }
0x85: {  	_ =	shalt  }
0x86: {  	_ =	shalt  }
0x87: {  	_ =	shalt  }
.Lfunc_end0:
.L_simem_size_0:
called_computation.2_lowered:
.L_overlay_start_0:
0x88: {  	s2 =	sld [smem:$0x3FD9]  }
0x89: {  	s3 =	sld [smem:$0x3FFE];
	_ =	sdelay $0x1  }
0x8a: {  	s1 =	srdreg.scid  }
0x8b: {  	s0 =	sand.u32 $0x1, s1  }
0x8c: {  	s16 =	sshll.u32 s0, $0xA;
	s2 =	sadd.s32 s3, s2  }
0x8d: {  	s2 =	sadd.s32 s2, s16  }
0x8e: {  	[smem:$0x3FB1] =	sst s2  }
0x8f: {  	_ = 	snop  }
0x90: {  	(tm) =	ssettm $0x1  }
0x91: {  	s17 =	sld [smem:$0x3FFB];
	_ =	sdelay $0x3  }
0x92: {  	_ =	strace s17  }
0x93: {  	s2 =	sld [smem:$0x3FFC];
	_ =	sdelay $0x3  }
0x94: {  	_ =	strace s2  }
0x95: {  	s2 =	sld [smem:$0x3FFD];
	_ =	sdelay $0x3  }
0x96: {  	_ =	strace s2  }
0x97: {  	_ =	strace $0x8FFFFFFF  }
0x98: {  	s18 =	sld [smem:$0x3FDB];
	_ =	sdelay $0x1  }
0x99: {  	s19 =	simm.s32 $_scs_section_size  }
0x9a: {  	s4 =	simm.s32 $_size__tile_overlayer_lowered;
	s5 =	simm.s32 $_tile_overlayer_lowered  }
0x9b: {  	s22 =	simm.s32 $0x1BFF;
	s21 =	sshll.u32 s5, $0x1;
	s2 =	sadd.s32 s19, s18  }
0x9c: {  	s6 =	simm.s32 $0x0;
	s20 =	sshll.u32 s4, $0x1;
	s4 =	sadd.s32 s21, s2  }
0x9d: {  	[timem:s6], [sflag:s22] =	dma.local [hbm:s4], s20  }
0x9e: {  	_ =	swait.ge [sflag:s22], s20  }
0x9f: {  	s3 =	ssub.s32 $0x0, s20;
	[sflag:s22] =	ssyncset.done $0x0  }
0xa0: {  	[sflag:s22] =	ssyncadd.s32 s3;
	_ =	sdelay $0x1  }
0xa1: {  	s23 =	simm.s32 $0x1B8B  }
0xa2: {  	_ =	swait.ge [sflag:s23], $0x1  }
0xa3: {  	[sflag:s23] =	ssyncset.done $0x0  }
0xa4: {  	s25 =	simm.s32 $0x1B8E;
	s24 =	sld [smem:$0x3FFE];
	[sflag:s23] =	ssyncadd.s32 $0xFFFFFFFF  }
0xa5: {  	s26 =	simm.s32 $execute0_lowered;
	[smem:$0x3FD2] =	sst s25  }
0xa6: {  	s4 =	sshll.u32 s26, $0x1;
	_ =	strace $0x8000004C;
	[dreg:$0x1] =	wrdreg $0xFFFFFFFF  }
0xa7: {  	s28 =	simm.s32 $_size_execute0_lowered;
	s2 =	sadd.s32 s2, s4;
	[dreg:$0x0] =	wrdreg $0x0  }
0xa8: {  	s4 =	sshll.u32 s28, $0x1;
	[dreg:$0x2] =	wrdreg s2  }
0xa9: {  	[dreg:$0x3] =	wrdreg s4  }
0xaa: {  	[dreg:$0x4] =	wrdreg $0xC0  }
0xab: {  	_ =	task [dreg:s6], $0x5FFFF  }
0xac: {  	[dreg:$0x1] =	wrdreg $0xFFFFFFFF  }
0xad: {  	[dreg:$0x0] =	wrdreg $0x60  }
0xae: {  	[dreg:$0x2] =	wrdreg s24  }
0xaf: {  	[dreg:$0x3] =	wrdreg $0x0  }
0xb0: {  	[dreg:$0x4] =	wrdreg $0x9  }
0xb1: {  	_ =	task.clear_ibuf [dreg:s6], $0x5FFFF;
	_ =	strace $0x9000004C  }
0xb2: {  	s29 =	simm.s32 $0x9;
	_ =	strace $0x8000004E  }
0xb3: {  	_ =	swait.ge [sflag:s29], $0x1  }
0xb4: {  	[sflag:s29] =	ssyncadd.s32 $0xFFFFFFFF  }
0xb5: {  	_ =	strace $0x9000004E  }
0xb6: {  	_ =	sfence  }
0xb7: {  	s30 =	sld [smem:$0x0];
	_ =	sdelay $0x2  }
0xb8: {  	s31 =	sshll.u32 s1, $0xD;
	s1 =	sshrl.u32 s1, $0x2  }
0xb9: {  	s3 =	sand.u32 $0x4000, s31;
	s1 =	sadd.s32 s1, s30  }
0xba: {  	s0 =	sor.u32 s3, s0;
	s1 =	sshll.u32 s1, $0x11  }
0xbb: {  	s0 =	sor.u32 s1, s0  }
0xbc: {  	s0 =	sadd.s32 $0x8F2B, s0  }
0xbd: {  	[sflag:s0] =	ssyncadd.remote.s32 $0x1  }
0xbe: {  	_ =	sfence.sel $0xFFFF  }
0xbf: {  	[dreg:$0x0] =	wrdreg $0xFFFFFFFF;
	(pc) =	sbr.abs _section_cstart, $3  }
0xc0: {  	[dreg:$0x1] =	wrdreg $0xFFFFFFFF  }
0xc1: {  	_ =	task.clear_ibuf [dreg:s6], $0x2FFFF;
	_ =	strace $0x9FFFFFFF  }
0xc2: {  	(tm) =	ssettm $0x7FFFFFFF  }
0xc3: {  	_ =	shalt  }
tec
execute0_lowered:
.L_overlay_start_1:
0x0: {  	(tag) =	ssettag $0x1  }
0x1: {  	s1 =	srdreg.scid;
	s6 =	rddreg [dreg:$0x0]  }
0x2: {  	s0 =	stileid.u32;
	s2 =	rddreg [dreg:$0x1];
	s3 =	simm.s32 $0x0  }
0x3: {  	s13 =	simm.s32 $0xA000;
	s14 =	simm.s32 $0xC800;
	s15 =	simm.s32 $0x80  }
0x4: {  	s16 =	simm.s32 $0xF000;
	s17 =	simm.s32 $0x1;
	s18 =	simm.s32 $0x0  }
0x5: {  	s5 =	sand.u32 $0x1, s1;
	s28 =	sshll.u32 s0, $0x1;
	s8 =	smul.u32 $0xA000, s0  }
0x6: {  	[smem:$0x7FF] =	sst s3;
	s1 =	sor.u32 s5, s28;
	s9 =	smul.u32 $0xA0000, s5  }
0x7: {  	s4 =	sadd.s32 $0x3400, s6;
	s5 =	ssub.s32 $0x2, s5;
	s7 =	smul.u32 $0x500, s1  }
0x8: {  	s1 =	rddreg [dreg:$0x2];
	_ =	strace $0x8000004D;
	s30 =	sshrl.u32 s8, $0x3  }
0x9: {  	s31 =	sshrl.u32 s5, $0x1;
	s29 =	sadd.s32 s8, s9;
	s9 =	sadd.s32 s30, s6  }
0xa: {  	s12 =	ssub.s32 s5, s31;
	s10 =	sadd.s32 s7, s6;
	s7 =	sshrl.u32 s29, $0x3  }
0xb: {  	s5 =	sadd.s32 $0x2AE00, s9;
	s11 =	sadd.s32 s7, s6;
	s6 =	sadd.s32 s8, s2  }
0xc: {  	s7 =	sadd.s32 $0x20E00, s10;
	s8 =	sadd.s32 $0x16E00, s10;
	s10 =	smax.u32 s12, $0x1  }
0xd: {  	s12 =	simm.s32 $0x2;
	s9 =	sadd.s32 $0x3EE00, s11;
	s11 =	simm.s32 $0x11000  }
.LBB2_1:
0xe: {  	[tilespmem:s11], [sflag:$0x2] =	stream.linear.gather [hbm4b:s5+s3], $0xA000, $0x38;
	[tilespmem:$0x1B000] =	vst v63  }
0xf: {  	_ =	swait.ge [sflag:s12], $0xA000  }
0x10: {  	[sflag:s12] =	ssyncset.done $0x0  }
0x11: {  	[sflag:s12] =	ssyncadd.s32 $0xFFFF6000  }
0x12: {  	[spmem:s6] =	stream.linear.scatter [tilespmem:s11], [sflag:$0x2], $0xA000, $0x38;
	[tilespmem:$0x1B000] =	vst v63  }
0x13: {  	_ =	swait.ge [sflag:s12], $0xA000  }
0x14: {  	[sflag:s12] =	ssyncset.done $0x0  }
0x15: {  	[sflag:s12] =	ssyncadd.s32 $0xFFFF6000  }
0x16: {  	[tilespmem:s13], [sflag:$0x2] =	stream.linear.gather [hbm4b:s7+s3], $0x2800, $0x38;
	[tilespmem:$0x1B000] =	vst v63  }
0x17: {  	_ =	swait.ge [sflag:s12], $0x2800  }
0x18: {  	[sflag:s12] =	ssyncset.done $0x0  }
0x19: {  	[sflag:s12] =	ssyncadd.s32 $0xFFFFD800  }
0x1a: {  	[tilespmem:s14], [sflag:$0x2] =	stream.linear.gather [hbm4b:s8+s3], $0x2800, $0x38;
	[tilespmem:$0x1B000] =	vst v63  }
0x1b: {  	_ =	swait.ge [sflag:s12], $0x2800  }
0x1c: {  	[sflag:s12] =	ssyncset.done $0x0  }
0x1d: {  	[sflag:s12] =	ssyncadd.s32 $0xFFFFD800  }
0x1e: {  	s19 =	simm.s32 $0xA000;
	[bflag:$0x0] =	sbarrier.arrive $0xFFFF  }
0x1f: {  	[tilespmem:s16], [sflag:$0x1] =	stream.indirect.gather [hbm4b:s4+s15], $0x40, s19, s15, $0xb8;
	[tilespmem:$0x1B000] =	vst v63  }
0x20: {  	_ =	swait.ge [sflag:s17], $0x2000  }
0x21: {  	[sflag:s17] =	ssyncset.done $0x0  }
0x22: {  	s31 =	simm.s32 $0xC800;
	[sflag:s17] =	ssyncadd.s32 $0xFFFFE000  }
0x23: {  	[spmem:s2] =	stream.indirect.scatter.add.f32 [tilespmem:s16], [sflag:$0x2], $0x40, s31, s15, $0xb8;
	[tilespmem:$0x1B000] =	vst v63  }
0x24: {  	_ =	swait.ge [sflag:s12], $0x2000  }
0x25: {  	s20 =	simm.s32 $0x400;
	s19 =	simm.s32 $0x80;
	[sflag:s12] =	ssyncset.done $0x0  }
.LBB2_2:
0x26: {  	s21 =	sadd.s32 $0xA000, s19  }
0x27: {  	[sflag:s12] =	ssyncadd.s32 $0xFFFFE000;
	s22 =	smov.u32 s20;
	s23 =	sadd.s32 $0x200, s20  }
0x28: {  	[tilespmem:s16], [sflag:$0x1] =	stream.indirect.gather [hbm4b:s4+s15], $0x40, s21, s15, $0xb8;
	[tilespmem:$0x1B000] =	vst v63  }
0x29: {  	p0 =	sne.s32 s20, $0x9E00;
	_ =	swait.ge [sflag:s17], $0x2000  }
.Ltmp0:
0x2a: {  	[sflag:s17] =	ssyncset.done $0x0;
	(pc) =	sbr.rel @p0 .LBB2_2-.Ltmp0, $4  }
0x2b: {  	s19 =	sadd.s32 $0xC800, s19;
	[sflag:s17] =	ssyncadd.s32 $0xFFFFE000  }
0x2c: {  	[spmem:s2] =	stream.indirect.scatter.add.f32 [tilespmem:s16], [sflag:$0x2], $0x40, s19, s15, $0xb8;
	[tilespmem:$0x1B000] =	vst v63  }
0x2d: {  	_ =	swait.ge [sflag:s12], $0x2000  }
0x2e: {  	s20 =	smov.u32 s23;
	s19 =	sshra.s32 s22, $0x2;
	[sflag:s12] =	ssyncset.done $0x0  }
0x2f: {  	s20 =	sadd.s32 $0xA000, s19;
	[sflag:s12] =	ssyncadd.s32 $0xFFFFE000  }
0x30: {  	[tilespmem:s16], [sflag:$0x1] =	stream.indirect.gather [hbm4b:s4+s15], $0x40, s20, s15, $0xb8;
	[tilespmem:$0x1B000] =	vst v63  }
0x31: {  	_ =	swait.ge [sflag:s17], $0x2000  }
0x32: {  	[sflag:s17] =	ssyncset.done $0x0  }
0x33: {  	s31 =	sadd.s32 $0xC800, s19;
	[sflag:s17] =	ssyncadd.s32 $0xFFFFE000  }
0x34: {  	[spmem:s2] =	stream.indirect.scatter.add.f32 [tilespmem:s16], [sflag:$0x2], $0x40, s31, s15, $0xb8;
	[tilespmem:$0x1B000] =	vst v63  }
0x35: {  	_ =	swait.ge [sflag:s12], $0x2000  }
0x36: {  	[sflag:s12] =	ssyncset.done $0x0  }
0x37: {  	[sflag:s12] =	ssyncadd.s32 $0xFFFFE000  }
0x38: {  	[bflag:$0x0] =	sbarrier.arrive $0xFFFF  }
0x39: {  	[tilespmem:s11], [sflag:$0x2] =	stream.linear.gather [spmem:s6], $0xA000, $0x38;
	[tilespmem:$0x1B000] =	vst v63  }
0x3a: {  	s18 =	sadd.s32 $0x1, s18;
	_ =	swait.ge [sflag:s12], $0xA000  }
0x3b: {  	p0 =	sne.s32 s18, s10;
	[sflag:s12] =	ssyncset.done $0x0  }
.Ltmp1:
0x3c: {  	[sflag:s12] =	ssyncadd.s32 $0xFFFF6000;
	(pc) =	sbr.rel @p0 .LBB2_1-.Ltmp1, $4  }
0x3d: {  	[hbm4b:s9+s3] =	stream.linear.scatter [tilespmem:s11], [sflag:$0x2], $0xA000, $0x38;
	[tilespmem:$0x1B000] =	vst v63  }
0x3e: {  	_ =	swait.ge [sflag:s12], $0xA000  }
0x3f: {  	[sflag:s12] =	ssyncset.done $0x0  }
0x40: {  	[sflag:s12] =	ssyncadd.s32 $0xFFFF6000  }
0x41: {  	_ =	sfence.sel $0x180000  }
0x42: {  	[bflag:$0x0] =	sbarrier.arrive $0xFFFF  }
0x43: {  	p0 =	sne.s32 s0, $0x0;
	_ =	strace $0x9000004D  }
0x44: {  	s0 =	sadd.s32 @!p0 $0x100000, s1;
	[bflag:$0x2] =	sbarrier.arrive $0xFFFF  }
0x45: {  	[sflag:s0] =	ssyncadd.tile.s32 @!p0 $0x1;
	_ =	shalt  }
.Lfunc_end2:
_tile_overlayer_lowered:
.L_overlay_start_2:
0x46: {  	(tag) =	ssettag $0x2  }
0x47: {  	s0 =	rddreg [dreg:$0x0];
	s2 =	stileid.u32  }
0x48: {  	s1 =	rddreg [dreg:$0x1];
	p0 =	sne.s32 s2, $0x0  }
0x49: {  	s3 =	rddreg [dreg:$0x2];
	[bflag:$0x3] =	sbarrier.arrive $0xFFFF;
	s2 =	simm.s32 @!p0 $0x1C02  }
0x4a: {  	[timem:s3], [sflag:s2] =	dma.local @!p0 [hbm:s0], s1  }
0x4b: {  	s0 =	simm.s32 @!p0 $0x2  }
0x4c: {  	_ =	swait.ge @!p0 [sflag:s0], s1  }
0x4d: {  	s1 =	ssub.s32 @!p0 $0x0, s1;
	[sflag:s0] =	ssyncset.done @!p0 $0x0  }
0x4e: {  	[sflag:s0] =	ssyncadd.s32 @!p0 s1  }
0x4f: {  	[bflag:$0x3] =	sbarrier.arrive $0xFFFF  }
0x50: {  	_ =	shalt  }

// kernel: kernel.18.cloned.1.call-start
scs
__scs_entry_jumppad:
0x0: {  	(pc) =	sbr.rel $0x88, $3  }
0x1: {  	(tag) =	ssettag $0x0;
	lr =	simm.s32 $0x1  }
0x2: {  	[smem:$0x3F8A] =	sst lr;
	_ =	strace $0xD0000000  }
0x3: {  	_ = 	snop  }
0x4: {  	_ = 	snop  }
0x5: {  	_ = 	snop  }
0x6: {  	_ = 	snop  }
0x7: {  	_ = 	snop  }
__scs_overlays_trampoline_lowered:
0x8: {  	[smem:$0x3F99] =	sst s0  }
0x9: {  	[smem:$0x3F9A] =	sst s1  }
0xa: {  	[smem:$0x3F9B] =	sst s2  }
0xb: {  	[smem:$0x3F9C] =	sst s3  }
0xc: {  	[smem:$0x3F9D] =	sst s4  }
0xd: {  	[smem:$0x3F9E] =	sst s5  }
0xe: {  	[smem:$0x3F9F] =	sst s6  }
0xf: {  	[smem:$0x3FA0] =	sst s7  }
0x10: {  	[smem:$0x3FA1] =	sst s8  }
0x11: {  	[smem:$0x3FA2] =	sst s9;
	s0 =	simm.s32 @!p0 $0x0  }
0x12: {  	s1 =	sld [smem:$0x3F88];
	s0 =	simm.s32 @p0 $0x1  }
0x13: {  	[smem:$0x3FA3] =	sst s0;
	s0 =	simm.s32 @!p1 $0x0  }
0x14: {  	s2 =	sld [smem:$0x3F87];
	s0 =	simm.s32 @p1 $0x1  }
0x15: {  	[smem:$0x3FA4] =	sst s0;
	s0 =	simm.s32 @!p2 $0x0  }
0x16: {  	s3 =	sld [smem:$0x3FDB];
	s0 =	simm.s32 @p2 $0x1  }
0x17: {  	s4 =	simm.s32 $0x1BF5;
	[smem:$0x3FA6] =	sst s0  }
0x18: {  	s0 =	sld [smem:$0x3F89];
	_ =	swait.ge [sflag:s4], $0x0  }
0x19: {  	s7 =	sld [smem:$0x3F8A]  }
0x1a: {  	s8 =	sadd.s32 $0xFFFFE003, lr  }
0x1b: {  	s9 =	sadd.s32 $0xFFFFFEF7, lr;
	s5 =	simm.s32 $0xFFFFFFFF;
	p2 =	slt.u32 s8, $0xFFFFF086  }
0x1c: {  	p1 =	slt.u32 s9, $0xF7A;
	s5 =	simm.s32 @!p2 $0x0  }
0x1d: {  	s5 =	simm.s32 @p1 $0x1;
	p0 =	seq.s32 s7, s2  }
0x1e: {  	s7 =	smul.u32 @!p0 $0xF7A, s2;
	p2 =	seq.s32 @!p0 s5, $0x0  }
0x1f: {  	s9 =	smul.u32 $0xF7A, s1;
	s8 =	simm.s32 @!p0 $0x1BF5;
	p2 =	por !p2, p0  }
0x20: {  	[sflag:s8] =	ssyncset.s32 @!p0 $0xFFFFF086;
	s6 =	sadd.s32 @!p0 s3, s7;
	s7 =	simm.s32 @!p0 $0x108  }
0x21: {  	s3 =	sadd.s32 s3, s9;
	s6 =	sadd.s32 @!p0 $0x88, s6;
	s7 =	simm.s32 @p2 $0x1082  }
0x22: {  	[simem:s7], [sflag:s8] =	dma.local @!p0 [hbm:s6], $0xF7A  }
0x23: {  	s9 =	sor.u32 $0xD0000000, s2;
	s6 =	simm.s32 $0x108;
	_ =	swait.ge @!p0 [sflag:s8], $0x0  }
0x24: {  	s3 =	sadd.s32 $0x88, s3;
	s6 =	simm.s32 @!p1 $0x1082;
	[sflag:s4] =	ssyncset.s32 $0xFFFFF086  }
0x25: {  	[simem:s6], [sflag:s4] =	dma.local [hbm:s3], $0xF7A  }
0x26: {  	[smem:$0x3F8A] =	sst s1;
	(tag) =	ssettag s2;
	_ =	strace s9  }
0x27: {  	s1 =	sld [smem:$0x3F9A]  }
0x28: {  	s2 =	sld [smem:$0x3F9B]  }
0x29: {  	s4 =	sld [smem:$0x3F9D]  }
0x2a: {  	p0 =	seq.s32 s5, $0x0;
	s5 =	sld [smem:$0x3F9E]  }
0x2b: {  	s6 =	sld [smem:$0x3F9F]  }
0x2c: {  	s7 =	sld [smem:$0x3FA0]  }
0x2d: {  	s3 =	simm.s32 $0x108;
	s8 =	sld [smem:$0x3FA1]  }
0x2e: {  	s3 =	simm.s32 @!p0 $0x1082;
	s9 =	sld [smem:$0x3FA2]  }
0x2f: {  	lr =	sadd.s32 s0, s3;
	s0 =	sld [smem:$0x3F99]  }
0x30: {  	s3 =	sld [smem:$0x3F9C]  }
0x31: {  	[smem:$0x3FA5] =	sst s10  }
0x32: {  	s10 =	sld [smem:$0x3FA3];
	_ =	sdelay $0x3  }
0x33: {  	p0 =	seq.s32 s10, $0x1;
	s10 =	sld [smem:$0x3FA5];
	_ =	sdelay $0x3  }
0x34: {  	[smem:$0x3FA5] =	sst s10  }
0x35: {  	s10 =	sld [smem:$0x3FA4];
	_ =	sdelay $0x3  }
0x36: {  	p1 =	seq.s32 s10, $0x1;
	s10 =	sld [smem:$0x3FA5];
	_ =	sdelay $0x3  }
0x37: {  	[smem:$0x3FA5] =	sst s10  }
0x38: {  	s10 =	sld [smem:$0x3FA6]  }
0x39: {  	_ = 	snop;
	(pc) =	sbr.ind lr, $3  }
0x3a: {  	_ = 	snop  }
0x3b: {  	_ = 	snop  }
0x3c: {  	p2 =	seq.s32 s10, $0x1;
	s10 =	sld [smem:$0x3FA5]  }
0x3d: {  	_ =	shalt  }
0x3e: {  	_ =	shalt  }
0x3f: {  	_ =	shalt  }
0x40: {  	_ =	shalt  }
0x41: {  	_ =	shalt  }
0x42: {  	_ =	shalt  }
0x43: {  	_ =	shalt  }
0x44: {  	_ =	shalt  }
0x45: {  	_ =	shalt  }
0x46: {  	_ =	shalt  }
0x47: {  	_ =	shalt  }
0x48: {  	_ =	shalt  }
0x49: {  	_ =	shalt  }
0x4a: {  	_ =	shalt  }
0x4b: {  	_ =	shalt  }
0x4c: {  	_ =	shalt  }
0x4d: {  	_ =	shalt  }
0x4e: {  	_ =	shalt  }
0x4f: {  	_ =	shalt  }
0x50: {  	_ =	shalt  }
0x51: {  	_ =	shalt  }
0x52: {  	_ =	shalt  }
0x53: {  	_ =	shalt  }
0x54: {  	_ =	shalt  }
0x55: {  	_ =	shalt  }
0x56: {  	_ =	shalt  }
0x57: {  	_ =	shalt  }
0x58: {  	_ =	shalt  }
0x59: {  	_ =	shalt  }
0x5a: {  	_ =	shalt  }
0x5b: {  	_ =	shalt  }
0x5c: {  	_ =	shalt  }
0x5d: {  	_ =	shalt  }
0x5e: {  	_ =	shalt  }
0x5f: {  	_ =	shalt  }
0x60: {  	_ =	shalt  }
0x61: {  	_ =	shalt  }
0x62: {  	_ =	shalt  }
0x63: {  	_ =	shalt  }
0x64: {  	_ =	shalt  }
0x65: {  	_ =	shalt  }
0x66: {  	_ =	shalt  }
0x67: {  	_ =	shalt  }
0x68: {  	_ =	shalt  }
0x69: {  	_ =	shalt  }
0x6a: {  	_ =	shalt  }
0x6b: {  	_ =	shalt  }
0x6c: {  	_ =	shalt  }
0x6d: {  	_ =	shalt  }
0x6e: {  	_ =	shalt  }
0x6f: {  	_ =	shalt  }
0x70: {  	_ =	shalt  }
0x71: {  	_ =	shalt  }
0x72: {  	_ =	shalt  }
0x73: {  	_ =	shalt  }
0x74: {  	_ =	shalt  }
0x75: {  	_ =	shalt  }
0x76: {  	_ =	shalt  }
0x77: {  	_ =	shalt  }
0x78: {  	_ =	shalt  }
0x79: {  	_ =	shalt  }
0x7a: {  	_ =	shalt  }
0x7b: {  	_ =	shalt  }
0x7c: {  	_ =	shalt  }
0x7d: {  	_ =	shalt  }
0x7e: {  	_ =	shalt  }
0x7f: {  	_ =	shalt  }
0x80: {  	_ =	shalt  }
0x81: {  	_ =	shalt  }
0x82: {  	_ =	shalt  }
0x83: {  	_ =	shalt  }
0x84: {  	_ =	shalt  }
0x85: {  	_ =	shalt  }
0x86: {  	_ =	shalt  }
0x87: {  	_ =	shalt  }
.Lfunc_end0:
.L_simem_size_0:
called_computation.3_lowered:
.L_overlay_start_0:
0x88: {  	s2 =	sld [smem:$0x3FD9]  }
0x89: {  	s3 =	sld [smem:$0x3FFE];
	_ =	sdelay $0x1  }
0x8a: {  	s1 =	srdreg.scid  }
0x8b: {  	s0 =	sand.u32 $0x1, s1  }
0x8c: {  	s16 =	sshll.u32 s0, $0xA;
	s2 =	sadd.s32 s3, s2  }
0x8d: {  	s2 =	sadd.s32 s2, s16  }
0x8e: {  	[smem:$0x3FB1] =	sst s2  }
0x8f: {  	_ = 	snop  }
0x90: {  	(tm) =	ssettm $0x1  }
0x91: {  	s17 =	sld [smem:$0x3FFB];
	_ =	sdelay $0x3  }
0x92: {  	_ =	strace s17  }
0x93: {  	s2 =	sld [smem:$0x3FFC];
	_ =	sdelay $0x3  }
0x94: {  	_ =	strace s2  }
0x95: {  	s2 =	sld [smem:$0x3FFD];
	_ =	sdelay $0x3  }
0x96: {  	_ =	strace s2  }
0x97: {  	_ =	strace $0x8FFFFFFF  }
0x98: {  	s18 =	sld [smem:$0x3FDB];
	_ =	sdelay $0x1  }
0x99: {  	s19 =	simm.s32 $_scs_section_size  }
0x9a: {  	s4 =	simm.s32 $_size__tile_overlayer_lowered;
	s5 =	simm.s32 $_tile_overlayer_lowered  }
0x9b: {  	s22 =	simm.s32 $0x1BFF;
	s21 =	sshll.u32 s5, $0x1;
	s2 =	sadd.s32 s19, s18  }
0x9c: {  	s6 =	simm.s32 $0x0;
	s20 =	sshll.u32 s4, $0x1;
	s4 =	sadd.s32 s21, s2  }
0x9d: {  	[timem:s6], [sflag:s22] =	dma.local [hbm:s4], s20  }
0x9e: {  	_ =	swait.ge [sflag:s22], s20  }
0x9f: {  	s3 =	ssub.s32 $0x0, s20;
	[sflag:s22] =	ssyncset.done $0x0  }
0xa0: {  	[sflag:s22] =	ssyncadd.s32 s3;
	_ =	sdelay $0x1  }
0xa1: {  	s23 =	simm.s32 $0x1B8B  }
0xa2: {  	_ =	swait.ge [sflag:s23], $0x1  }
0xa3: {  	[sflag:s23] =	ssyncset.done $0x0  }
0xa4: {  	s25 =	simm.s32 $0x1B8E;
	s24 =	sld [smem:$0x3FFE];
	[sflag:s23] =	ssyncadd.s32 $0xFFFFFFFF  }
0xa5: {  	s26 =	simm.s32 $execute0_lowered;
	[smem:$0x3FD2] =	sst s25  }
0xa6: {  	s4 =	sshll.u32 s26, $0x1;
	_ =	strace $0x8000004F;
	[dreg:$0x1] =	wrdreg $0xFFFFFFFF  }
0xa7: {  	s28 =	simm.s32 $_size_execute0_lowered;
	s2 =	sadd.s32 s2, s4;
	[dreg:$0x0] =	wrdreg $0x0  }
0xa8: {  	s4 =	sshll.u32 s28, $0x1;
	[dreg:$0x2] =	wrdreg s2  }
0xa9: {  	[dreg:$0x3] =	wrdreg s4  }
0xaa: {  	[dreg:$0x4] =	wrdreg $0xC0  }
0xab: {  	_ =	task [dreg:s6], $0x5FFFF  }
0xac: {  	[dreg:$0x1] =	wrdreg $0xFFFFFFFF  }
0xad: {  	[dreg:$0x0] =	wrdreg $0x60  }
0xae: {  	[dreg:$0x2] =	wrdreg s24  }
0xaf: {  	[dreg:$0x3] =	wrdreg $0x0  }
0xb0: {  	[dreg:$0x4] =	wrdreg $0x9  }
0xb1: {  	_ =	task.clear_ibuf [dreg:s6], $0x5FFFF;
	_ =	strace $0x9000004F  }
0xb2: {  	s29 =	simm.s32 $0x9;
	_ =	strace $0x80000051  }
0xb3: {  	_ =	swait.ge [sflag:s29], $0x1  }
0xb4: {  	[sflag:s29] =	ssyncadd.s32 $0xFFFFFFFF  }
0xb5: {  	_ =	strace $0x90000051  }
0xb6: {  	_ =	sfence  }
0xb7: {  	s30 =	sld [smem:$0x0];
	_ =	sdelay $0x2  }
0xb8: {  	s31 =	sshll.u32 s1, $0xD;
	s1 =	sshrl.u32 s1, $0x2  }
0xb9: {  	s3 =	sand.u32 $0x4000, s31;
	s1 =	sadd.s32 s1, s30  }
0xba: {  	s0 =	sor.u32 s3, s0;
	s1 =	sshll.u32 s1, $0x11  }
0xbb: {  	s0 =	sor.u32 s1, s0  }
0xbc: {  	s0 =	sadd.s32 $0x8F2B, s0  }
0xbd: {  	[sflag:s0] =	ssyncadd.remote.s32 $0x1  }
0xbe: {  	_ =	sfence.sel $0xFFFF  }
0xbf: {  	[dreg:$0x0] =	wrdreg $0xFFFFFFFF;
	(pc) =	sbr.abs _section_cstart, $3  }
0xc0: {  	[dreg:$0x1] =	wrdreg $0xFFFFFFFF  }
0xc1: {  	_ =	task.clear_ibuf [dreg:s6], $0x2FFFF;
	_ =	strace $0x9FFFFFFF  }
0xc2: {  	(tm) =	ssettm $0x7FFFFFFF  }
0xc3: {  	_ =	shalt  }
tec
execute0_lowered:
.L_overlay_start_1:
0x0: {  	(tag) =	ssettag $0x1  }
0x1: {  	s1 =	srdreg.scid;
	s6 =	rddreg [dreg:$0x0]  }
0x2: {  	s0 =	stileid.u32;
	s2 =	rddreg [dreg:$0x1];
	s3 =	simm.s32 $0x0  }
0x3: {  	s13 =	simm.s32 $0xA000;
	s14 =	simm.s32 $0xC800;
	s15 =	simm.s32 $0x80  }
0x4: {  	s16 =	simm.s32 $0xF000;
	s17 =	simm.s32 $0x1;
	s18 =	simm.s32 $0x0  }
0x5: {  	s5 =	sand.u32 $0x1, s1;
	s28 =	sshll.u32 s0, $0x1;
	s8 =	smul.u32 $0xA000, s0  }
0x6: {  	[smem:$0x7FF] =	sst s3;
	s1 =	sor.u32 s5, s28;
	s9 =	smul.u32 $0xA0000, s5  }
0x7: {  	s4 =	sadd.s32 $0x3400, s6;
	s5 =	ssub.s32 $0x2, s5;
	s7 =	smul.u32 $0x500, s1  }
0x8: {  	s1 =	rddreg [dreg:$0x2];
	_ =	strace $0x80000050;
	s30 =	sshrl.u32 s8, $0x3  }
0x9: {  	s31 =	sshrl.u32 s5, $0x1;
	s29 =	sadd.s32 s8, s9;
	s9 =	sadd.s32 s30, s6  }
0xa: {  	s12 =	ssub.s32 s5, s31;
	s10 =	sadd.s32 s7, s6;
	s7 =	sshrl.u32 s29, $0x3  }
0xb: {  	s5 =	sadd.s32 $0x2AE00, s9;
	s11 =	sadd.s32 s7, s6;
	s6 =	sadd.s32 s8, s2  }
0xc: {  	s7 =	sadd.s32 $0x20E00, s10;
	s8 =	sadd.s32 $0x16E00, s10;
	s10 =	smax.u32 s12, $0x1  }
0xd: {  	s12 =	simm.s32 $0x2;
	s9 =	sadd.s32 $0x3EE00, s11;
	s11 =	simm.s32 $0x11000  }
.LBB2_1:
0xe: {  	[tilespmem:s11], [sflag:$0x2] =	stream.linear.gather [hbm4b:s5+s3], $0xA000, $0x38;
	[tilespmem:$0x1B000] =	vst v63  }
0xf: {  	_ =	swait.ge [sflag:s12], $0xA000  }
0x10: {  	[sflag:s12] =	ssyncset.done $0x0  }
0x11: {  	[sflag:s12] =	ssyncadd.s32 $0xFFFF6000  }
0x12: {  	[spmem:s6] =	stream.linear.scatter [tilespmem:s11], [sflag:$0x2], $0xA000, $0x38;
	[tilespmem:$0x1B000] =	vst v63  }
0x13: {  	_ =	swait.ge [sflag:s12], $0xA000  }
0x14: {  	[sflag:s12] =	ssyncset.done $0x0  }
0x15: {  	[sflag:s12] =	ssyncadd.s32 $0xFFFF6000  }
0x16: {  	[tilespmem:s13], [sflag:$0x2] =	stream.linear.gather [hbm4b:s7+s3], $0x2800, $0x38;
	[tilespmem:$0x1B000] =	vst v63  }
0x17: {  	_ =	swait.ge [sflag:s12], $0x2800  }
0x18: {  	[sflag:s12] =	ssyncset.done $0x0  }
0x19: {  	[sflag:s12] =	ssyncadd.s32 $0xFFFFD800  }
0x1a: {  	[tilespmem:s14], [sflag:$0x2] =	stream.linear.gather [hbm4b:s8+s3], $0x2800, $0x38;
	[tilespmem:$0x1B000] =	vst v63  }
0x1b: {  	_ =	swait.ge [sflag:s12], $0x2800  }
0x1c: {  	[sflag:s12] =	ssyncset.done $0x0  }
0x1d: {  	[sflag:s12] =	ssyncadd.s32 $0xFFFFD800  }
0x1e: {  	s19 =	simm.s32 $0xA000;
	[bflag:$0x0] =	sbarrier.arrive $0xFFFF  }
0x1f: {  	[tilespmem:s16], [sflag:$0x1] =	stream.indirect.gather [hbm4b:s4+s15], $0x40, s19, s15, $0xb8;
	[tilespmem:$0x1B000] =	vst v63  }
0x20: {  	_ =	swait.ge [sflag:s17], $0x2000  }
0x21: {  	[sflag:s17] =	ssyncset.done $0x0  }
0x22: {  	s31 =	simm.s32 $0xC800;
	[sflag:s17] =	ssyncadd.s32 $0xFFFFE000  }
0x23: {  	[spmem:s2] =	stream.indirect.scatter.add.f32 [tilespmem:s16], [sflag:$0x2], $0x40, s31, s15, $0xb8;
	[tilespmem:$0x1B000] =	vst v63  }
0x24: {  	_ =	swait.ge [sflag:s12], $0x2000  }
0x25: {  	s20 =	simm.s32 $0x400;
	s19 =	simm.s32 $0x80;
	[sflag:s12] =	ssyncset.done $0x0  }
.LBB2_2:
0x26: {  	s21 =	sadd.s32 $0xA000, s19  }
0x27: {  	[sflag:s12] =	ssyncadd.s32 $0xFFFFE000;
	s22 =	smov.u32 s20;
	s23 =	sadd.s32 $0x200, s20  }
0x28: {  	[tilespmem:s16], [sflag:$0x1] =	stream.indirect.gather [hbm4b:s4+s15], $0x40, s21, s15, $0xb8;
	[tilespmem:$0x1B000] =	vst v63  }
0x29: {  	p0 =	sne.s32 s20, $0x9E00;
	_ =	swait.ge [sflag:s17], $0x2000  }
.Ltmp0:
0x2a: {  	[sflag:s17] =	ssyncset.done $0x0;
	(pc) =	sbr.rel @p0 .LBB2_2-.Ltmp0, $4  }
0x2b: {  	s19 =	sadd.s32 $0xC800, s19;
	[sflag:s17] =	ssyncadd.s32 $0xFFFFE000  }
0x2c: {  	[spmem:s2] =	stream.indirect.scatter.add.f32 [tilespmem:s16], [sflag:$0x2], $0x40, s19, s15, $0xb8;
	[tilespmem:$0x1B000] =	vst v63  }
0x2d: {  	_ =	swait.ge [sflag:s12], $0x2000  }
0x2e: {  	s20 =	smov.u32 s23;
	s19 =	sshra.s32 s22, $0x2;
	[sflag:s12] =	ssyncset.done $0x0  }
0x2f: {  	s20 =	sadd.s32 $0xA000, s19;
	[sflag:s12] =	ssyncadd.s32 $0xFFFFE000  }
0x30: {  	[tilespmem:s16], [sflag:$0x1] =	stream.indirect.gather [hbm4b:s4+s15], $0x40, s20, s15, $0xb8;
	[tilespmem:$0x1B000] =	vst v63  }
0x31: {  	_ =	swait.ge [sflag:s17], $0x2000  }
0x32: {  	[sflag:s17] =	ssyncset.done $0x0  }
0x33: {  	s31 =	sadd.s32 $0xC800, s19;
	[sflag:s17] =	ssyncadd.s32 $0xFFFFE000  }
0x34: {  	[spmem:s2] =	stream.indirect.scatter.add.f32 [tilespmem:s16], [sflag:$0x2], $0x40, s31, s15, $0xb8;
	[tilespmem:$0x1B000] =	vst v63  }
0x35: {  	_ =	swait.ge [sflag:s12], $0x2000  }
0x36: {  	[sflag:s12] =	ssyncset.done $0x0  }
0x37: {  	[sflag:s12] =	ssyncadd.s32 $0xFFFFE000  }
0x38: {  	[bflag:$0x0] =	sbarrier.arrive $0xFFFF  }
0x39: {  	[tilespmem:s11], [sflag:$0x2] =	stream.linear.gather [spmem:s6], $0xA000, $0x38;
	[tilespmem:$0x1B000] =	vst v63  }
0x3a: {  	s18 =	sadd.s32 $0x1, s18;
	_ =	swait.ge [sflag:s12], $0xA000  }
0x3b: {  	p0 =	sne.s32 s18, s10;
	[sflag:s12] =	ssyncset.done $0x0  }
.Ltmp1:
0x3c: {  	[sflag:s12] =	ssyncadd.s32 $0xFFFF6000;
	(pc) =	sbr.rel @p0 .LBB2_1-.Ltmp1, $4  }
0x3d: {  	[hbm4b:s9+s3] =	stream.linear.scatter [tilespmem:s11], [sflag:$0x2], $0xA000, $0x38;
	[tilespmem:$0x1B000] =	vst v63  }
0x3e: {  	_ =	swait.ge [sflag:s12], $0xA000  }
0x3f: {  	[sflag:s12] =	ssyncset.done $0x0  }
0x40: {  	[sflag:s12] =	ssyncadd.s32 $0xFFFF6000  }
0x41: {  	_ =	sfence.sel $0x180000  }
0x42: {  	[bflag:$0x0] =	sbarrier.arrive $0xFFFF  }
0x43: {  	p0 =	sne.s32 s0, $0x0;
	_ =	strace $0x90000050  }
0x44: {  	s0 =	sadd.s32 @!p0 $0x100000, s1;
	[bflag:$0x2] =	sbarrier.arrive $0xFFFF  }
0x45: {  	[sflag:s0] =	ssyncadd.tile.s32 @!p0 $0x1;
	_ =	shalt  }
.Lfunc_end2:
_tile_overlayer_lowered:
.L_overlay_start_2:
0x46: {  	(tag) =	ssettag $0x2  }
0x47: {  	s0 =	rddreg [dreg:$0x0];
	s2 =	stileid.u32  }
0x48: {  	s1 =	rddreg [dreg:$0x1];
	p0 =	sne.s32 s2, $0x0  }
0x49: {  	s3 =	rddreg [dreg:$0x2];
	[bflag:$0x3] =	sbarrier.arrive $0xFFFF;
	s2 =	simm.s32 @!p0 $0x1C02  }
0x4a: {  	[timem:s3], [sflag:s2] =	dma.local @!p0 [hbm:s0], s1  }
0x4b: {  	s0 =	simm.s32 @!p0 $0x2  }
0x4c: {  	_ =	swait.ge @!p0 [sflag:s0], s1  }
0x4d: {  	s1 =	ssub.s32 @!p0 $0x0, s1;
	[sflag:s0] =	ssyncset.done @!p0 $0x0  }
0x4e: {  	[sflag:s0] =	ssyncadd.s32 @!p0 s1  }
0x4f: {  	[bflag:$0x3] =	sbarrier.arrive $0xFFFF  }
0x50: {  	_ =	shalt  }

// kernel: kernel.9.cloned.1.call-start
scs
__scs_entry_jumppad:
0x0: {  	(pc) =	sbr.rel $0x88, $3  }
0x1: {  	(tag) =	ssettag $0x0;
	lr =	simm.s32 $0x1  }
0x2: {  	[smem:$0x3F8A] =	sst lr;
	_ =	strace $0xD0000000  }
0x3: {  	_ = 	snop  }
0x4: {  	_ = 	snop  }
0x5: {  	_ = 	snop  }
0x6: {  	_ = 	snop  }
0x7: {  	_ = 	snop  }
__scs_overlays_trampoline_lowered:
0x8: {  	[smem:$0x3F99] =	sst s0  }
0x9: {  	[smem:$0x3F9A] =	sst s1  }
0xa: {  	[smem:$0x3F9B] =	sst s2  }
0xb: {  	[smem:$0x3F9C] =	sst s3  }
0xc: {  	[smem:$0x3F9D] =	sst s4  }
0xd: {  	[smem:$0x3F9E] =	sst s5  }
0xe: {  	[smem:$0x3F9F] =	sst s6  }
0xf: {  	[smem:$0x3FA0] =	sst s7  }
0x10: {  	[smem:$0x3FA1] =	sst s8  }
0x11: {  	[smem:$0x3FA2] =	sst s9;
	s0 =	simm.s32 @!p0 $0x0  }
0x12: {  	s1 =	sld [smem:$0x3F88];
	s0 =	simm.s32 @p0 $0x1  }
0x13: {  	[smem:$0x3FA3] =	sst s0;
	s0 =	simm.s32 @!p1 $0x0  }
0x14: {  	s2 =	sld [smem:$0x3F87];
	s0 =	simm.s32 @p1 $0x1  }
0x15: {  	[smem:$0x3FA4] =	sst s0;
	s0 =	simm.s32 @!p2 $0x0  }
0x16: {  	s3 =	sld [smem:$0x3FDB];
	s0 =	simm.s32 @p2 $0x1  }
0x17: {  	s4 =	simm.s32 $0x1BF5;
	[smem:$0x3FA6] =	sst s0  }
0x18: {  	s0 =	sld [smem:$0x3F89];
	_ =	swait.ge [sflag:s4], $0x0  }
0x19: {  	s7 =	sld [smem:$0x3F8A]  }
0x1a: {  	s8 =	sadd.s32 $0xFFFFE003, lr  }
0x1b: {  	s9 =	sadd.s32 $0xFFFFFEF7, lr;
	s5 =	simm.s32 $0xFFFFFFFF;
	p2 =	slt.u32 s8, $0xFFFFF086  }
0x1c: {  	p1 =	slt.u32 s9, $0xF7A;
	s5 =	simm.s32 @!p2 $0x0  }
0x1d: {  	s5 =	simm.s32 @p1 $0x1;
	p0 =	seq.s32 s7, s2  }
0x1e: {  	s7 =	smul.u32 @!p0 $0xF7A, s2;
	p2 =	seq.s32 @!p0 s5, $0x0  }
0x1f: {  	s9 =	smul.u32 $0xF7A, s1;
	s8 =	simm.s32 @!p0 $0x1BF5;
	p2 =	por !p2, p0  }
0x20: {  	[sflag:s8] =	ssyncset.s32 @!p0 $0xFFFFF086;
	s6 =	sadd.s32 @!p0 s3, s7;
	s7 =	simm.s32 @!p0 $0x108  }
0x21: {  	s3 =	sadd.s32 s3, s9;
	s6 =	sadd.s32 @!p0 $0x88, s6;
	s7 =	simm.s32 @p2 $0x1082  }
0x22: {  	[simem:s7], [sflag:s8] =	dma.local @!p0 [hbm:s6], $0xF7A  }
0x23: {  	s9 =	sor.u32 $0xD0000000, s2;
	s6 =	simm.s32 $0x108;
	_ =	swait.ge @!p0 [sflag:s8], $0x0  }
0x24: {  	s3 =	sadd.s32 $0x88, s3;
	s6 =	simm.s32 @!p1 $0x1082;
	[sflag:s4] =	ssyncset.s32 $0xFFFFF086  }
0x25: {  	[simem:s6], [sflag:s4] =	dma.local [hbm:s3], $0xF7A  }
0x26: {  	[smem:$0x3F8A] =	sst s1;
	(tag) =	ssettag s2;
	_ =	strace s9  }
0x27: {  	s1 =	sld [smem:$0x3F9A]  }
0x28: {  	s2 =	sld [smem:$0x3F9B]  }
0x29: {  	s4 =	sld [smem:$0x3F9D]  }
0x2a: {  	p0 =	seq.s32 s5, $0x0;
	s5 =	sld [smem:$0x3F9E]  }
0x2b: {  	s6 =	sld [smem:$0x3F9F]  }
0x2c: {  	s7 =	sld [smem:$0x3FA0]  }
0x2d: {  	s3 =	simm.s32 $0x108;
	s8 =	sld [smem:$0x3FA1]  }
0x2e: {  	s3 =	simm.s32 @!p0 $0x1082;
	s9 =	sld [smem:$0x3FA2]  }
0x2f: {  	lr =	sadd.s32 s0, s3;
	s0 =	sld [smem:$0x3F99]  }
0x30: {  	s3 =	sld [smem:$0x3F9C]  }
0x31: {  	[smem:$0x3FA5] =	sst s10  }
0x32: {  	s10 =	sld [smem:$0x3FA3];
	_ =	sdelay $0x3  }
0x33: {  	p0 =	seq.s32 s10, $0x1;
	s10 =	sld [smem:$0x3FA5];
	_ =	sdelay $0x3  }
0x34: {  	[smem:$0x3FA5] =	sst s10  }
0x35: {  	s10 =	sld [smem:$0x3FA4];
	_ =	sdelay $0x3  }
0x36: {  	p1 =	seq.s32 s10, $0x1;
	s10 =	sld [smem:$0x3FA5];
	_ =	sdelay $0x3  }
0x37: {  	[smem:$0x3FA5] =	sst s10  }
0x38: {  	s10 =	sld [smem:$0x3FA6]  }
0x39: {  	_ = 	snop;
	(pc) =	sbr.ind lr, $3  }
0x3a: {  	_ = 	snop  }
0x3b: {  	_ = 	snop  }
0x3c: {  	p2 =	seq.s32 s10, $0x1;
	s10 =	sld [smem:$0x3FA5]  }
0x3d: {  	_ =	shalt  }
0x3e: {  	_ =	shalt  }
0x3f: {  	_ =	shalt  }
0x40: {  	_ =	shalt  }
0x41: {  	_ =	shalt  }
0x42: {  	_ =	shalt  }
0x43: {  	_ =	shalt  }
0x44: {  	_ =	shalt  }
0x45: {  	_ =	shalt  }
0x46: {  	_ =	shalt  }
0x47: {  	_ =	shalt  }
0x48: {  	_ =	shalt  }
0x49: {  	_ =	shalt  }
0x4a: {  	_ =	shalt  }
0x4b: {  	_ =	shalt  }
0x4c: {  	_ =	shalt  }
0x4d: {  	_ =	shalt  }
0x4e: {  	_ =	shalt  }
0x4f: {  	_ =	shalt  }
0x50: {  	_ =	shalt  }
0x51: {  	_ =	shalt  }
0x52: {  	_ =	shalt  }
0x53: {  	_ =	shalt  }
0x54: {  	_ =	shalt  }
0x55: {  	_ =	shalt  }
0x56: {  	_ =	shalt  }
0x57: {  	_ =	shalt  }
0x58: {  	_ =	shalt  }
0x59: {  	_ =	shalt  }
0x5a: {  	_ =	shalt  }
0x5b: {  	_ =	shalt  }
0x5c: {  	_ =	shalt  }
0x5d: {  	_ =	shalt  }
0x5e: {  	_ =	shalt  }
0x5f: {  	_ =	shalt  }
0x60: {  	_ =	shalt  }
0x61: {  	_ =	shalt  }
0x62: {  	_ =	shalt  }
0x63: {  	_ =	shalt  }
0x64: {  	_ =	shalt  }
0x65: {  	_ =	shalt  }
0x66: {  	_ =	shalt  }
0x67: {  	_ =	shalt  }
0x68: {  	_ =	shalt  }
0x69: {  	_ =	shalt  }
0x6a: {  	_ =	shalt  }
0x6b: {  	_ =	shalt  }
0x6c: {  	_ =	shalt  }
0x6d: {  	_ =	shalt  }
0x6e: {  	_ =	shalt  }
0x6f: {  	_ =	shalt  }
0x70: {  	_ =	shalt  }
0x71: {  	_ =	shalt  }
0x72: {  	_ =	shalt  }
0x73: {  	_ =	shalt  }
0x74: {  	_ =	shalt  }
0x75: {  	_ =	shalt  }
0x76: {  	_ =	shalt  }
0x77: {  	_ =	shalt  }
0x78: {  	_ =	shalt  }
0x79: {  	_ =	shalt  }
0x7a: {  	_ =	shalt  }
0x7b: {  	_ =	shalt  }
0x7c: {  	_ =	shalt  }
0x7d: {  	_ =	shalt  }
0x7e: {  	_ =	shalt  }
0x7f: {  	_ =	shalt  }
0x80: {  	_ =	shalt  }
0x81: {  	_ =	shalt  }
0x82: {  	_ =	shalt  }
0x83: {  	_ =	shalt  }
0x84: {  	_ =	shalt  }
0x85: {  	_ =	shalt  }
0x86: {  	_ =	shalt  }
0x87: {  	_ =	shalt  }
.Lfunc_end0:
.L_simem_size_0:
called_computation_lowered:
.L_overlay_start_0:
0x88: {  	s2 =	sld [smem:$0x3FD9]  }
0x89: {  	s3 =	sld [smem:$0x3FFE];
	_ =	sdelay $0x1  }
0x8a: {  	s1 =	srdreg.scid  }
0x8b: {  	s0 =	sand.u32 $0x1, s1  }
0x8c: {  	s17 =	sshll.u32 s0, $0xA;
	s2 =	sadd.s32 s3, s2  }
0x8d: {  	s2 =	sadd.s32 s2, s17  }
0x8e: {  	[smem:$0x3FB1] =	sst s2  }
0x8f: {  	_ = 	snop  }
0x90: {  	(tm) =	ssettm $0x1  }
0x91: {  	s18 =	sld [smem:$0x3FFB];
	_ =	sdelay $0x3  }
0x92: {  	_ =	strace s18  }
0x93: {  	s2 =	sld [smem:$0x3FFC];
	_ =	sdelay $0x3  }
0x94: {  	_ =	strace s2  }
0x95: {  	s2 =	sld [smem:$0x3FFD];
	_ =	sdelay $0x3  }
0x96: {  	_ =	strace s2  }
0x97: {  	_ =	strace $0x8FFFFFFF  }
0x98: {  	s19 =	sld [smem:$0x3FDB];
	_ =	sdelay $0x1  }
0x99: {  	s20 =	simm.s32 $_scs_section_size  }
0x9a: {  	s4 =	simm.s32 $_size__tile_overlayer_lowered;
	s5 =	simm.s32 $_tile_overlayer_lowered  }
0x9b: {  	s6 =	simm.s32 $0x1BFF;
	s21 =	sshll.u32 s5, $0x1;
	s3 =	sadd.s32 s20, s19  }
0x9c: {  	s22 =	simm.s32 $0x0;
	s4 =	sshll.u32 s4, $0x1;
	s5 =	sadd.s32 s21, s3  }
0x9d: {  	[timem:s22], [sflag:s6] =	dma.local [hbm:s5], s4  }
0x9e: {  	_ =	swait.ge [sflag:s6], s4  }
0x9f: {  	s4 =	ssub.s32 $0x0, s4;
	[sflag:s6] =	ssyncset.done $0x0  }
0xa0: {  	[sflag:s6] =	ssyncadd.s32 s4;
	_ =	sdelay $0x1  }
0xa1: {  	s23 =	simm.s32 $0x1B8B  }
0xa2: {  	_ =	swait.ge [sflag:s23], $0x1  }
0xa3: {  	[sflag:s23] =	ssyncset.done $0x0  }
0xa4: {  	[sflag:s23] =	ssyncadd.s32 $0xFFFFFFFF  }
0xa5: {  	s4 =	sld [smem:$0x0]  }
0xa6: {  	s5 =	sand.u32 $0xFFFFFFFE, s1  }
0xa7: {  	p0 =	sne.s32 s1, s5  }
0xa8: {  	s5 =	sshll.u32 @p0 s5, $0xE  }
0xa9: {  	s5 =	sadd.s32 @p0 $0x11B8D, s5;
	s6 =	sshll.u32 @p0 s4, $0x11  }
0xaa: {  	s5 =	sor.u32 @p0 s6, s5  }
0xab: {  	[sflag:s5] =	ssyncadd.remote.s32 @p0 $0x1;
	_ =	sdelay $0x1  }
0xac: {  	s5 =	simm.s32 @p0 $0x1B8D  }
0xad: {  	_ =	swait.eq @p0 [sflag:s5], $0x1  }
0xae: {  	[sflag:s5] =	ssyncadd.s32 @p0 $0xFFFFFFFF  }
0xaf: {  	s6 =	sshll.u32 @!p0 s1, $0xE  }
0xb0: {  	s6 =	sor.u32 @!p0 $0x4000, s6;
	s5 =	simm.s32 @!p0 $0x1B8D  }
0xb1: {  	s4 =	sshll.u32 @!p0 s4, $0x11;
	s6 =	sadd.s32 @!p0 $0x11B8D, s6;
	_ =	swait.eq @!p0 [sflag:s5], $0x1  }
0xb2: {  	s4 =	sor.u32 @!p0 s4, s6;
	[sflag:s5] =	ssyncadd.s32 @!p0 $0xFFFFFFFF  }
0xb3: {  	s25 =	simm.s32 $0x1B8E;
	s24 =	sld [smem:$0x3FFE];
	[sflag:s4] =	ssyncadd.remote.s32 @!p0 $0x1  }
0xb4: {  	s26 =	simm.s32 $execute0_lowered;
	[smem:$0x3FD2] =	sst s25  }
0xb5: {  	s5 =	sshll.u32 s26, $0x1;
	_ =	strace $0x80000049;
	[dreg:$0x1] =	wrdreg $0xFFFFFFFF  }
0xb6: {  	s28 =	simm.s32 $_size_execute0_lowered;
	s3 =	sadd.s32 s3, s5;
	[dreg:$0x0] =	wrdreg $0x0  }
0xb7: {  	s5 =	sshll.u32 s28, $0x1;
	[dreg:$0x2] =	wrdreg s3  }
0xb8: {  	[dreg:$0x3] =	wrdreg s5  }
0xb9: {  	[dreg:$0x4] =	wrdreg $0xC0  }
0xba: {  	_ =	task [dreg:s22], $0x5FFFF  }
0xbb: {  	[dreg:$0x1] =	wrdreg $0xFFFFFFFF  }
0xbc: {  	[dreg:$0x0] =	wrdreg $0x60  }
0xbd: {  	[dreg:$0x2] =	wrdreg s24  }
0xbe: {  	[dreg:$0x3] =	wrdreg $0x0  }
0xbf: {  	[dreg:$0x4] =	wrdreg $0x9  }
0xc0: {  	_ =	task.clear_ibuf [dreg:s22], $0x5FFFF;
	_ =	strace $0x90000049  }
0xc1: {  	s29 =	simm.s32 $0x9;
	_ =	strace $0x8000004B  }
0xc2: {  	_ =	swait.ge [sflag:s29], $0x1  }
0xc3: {  	[sflag:s29] =	ssyncadd.s32 $0xFFFFFFFF  }
0xc4: {  	_ =	strace $0x9000004B  }
0xc5: {  	_ =	sfence  }
0xc6: {  	s30 =	sld [smem:$0x0];
	_ =	sdelay $0x2  }
0xc7: {  	s31 =	sshll.u32 s1, $0xD;
	s1 =	sshrl.u32 s1, $0x2  }
0xc8: {  	s4 =	sand.u32 $0x4000, s31;
	s1 =	sadd.s32 s1, s30  }
0xc9: {  	s0 =	sor.u32 s4, s0;
	s1 =	sshll.u32 s1, $0x11  }
0xca: {  	s0 =	sor.u32 s1, s0  }
0xcb: {  	s0 =	sadd.s32 $0x8F2B, s0  }
0xcc: {  	[sflag:s0] =	ssyncadd.remote.s32 $0x1  }
0xcd: {  	_ =	sfence.sel $0xFFFF  }
0xce: {  	[dreg:$0x0] =	wrdreg $0xFFFFFFFF;
	(pc) =	sbr.abs _section_cstart, $3  }
0xcf: {  	[dreg:$0x1] =	wrdreg $0xFFFFFFFF  }
0xd0: {  	_ =	task.clear_ibuf [dreg:s22], $0x2FFFF;
	_ =	strace $0x9FFFFFFF  }
0xd1: {  	(tm) =	ssettm $0x7FFFFFFF  }
tec
execute0_lowered:
.L_overlay_start_1:
0x0: {  	(tag) =	ssettag $0x1  }
0x1: {  	s1 =	srdreg.scid;
	s6 =	rddreg [dreg:$0x0]  }
0x2: {  	s0 =	stileid.u32;
	s2 =	rddreg [dreg:$0x1];
	s3 =	simm.s32 $0x0  }
0x3: {  	s13 =	simm.s32 $0xA000;
	s14 =	simm.s32 $0xC800;
	s15 =	simm.s32 $0x80  }
0x4: {  	s16 =	simm.s32 $0xF000;
	s17 =	simm.s32 $0x1;
	s18 =	simm.s32 $0x0  }
0x5: {  	s5 =	sand.u32 $0x1, s1;
	s28 =	sshll.u32 s0, $0x1;
	s8 =	smul.u32 $0xA000, s0  }
0x6: {  	[smem:$0x7FF] =	sst s3;
	s1 =	sor.u32 s5, s28;
	s9 =	smul.u32 $0xA0000, s5  }
0x7: {  	s4 =	sadd.s32 $0x66E00, s6;
	s5 =	ssub.s32 $0x2, s5;
	s7 =	smul.u32 $0x500, s1  }
0x8: {  	s1 =	rddreg [dreg:$0x2];
	_ =	strace $0x8000004A;
	s30 =	sshrl.u32 s8, $0x3  }
0x9: {  	s31 =	sshrl.u32 s5, $0x1;
	s29 =	sadd.s32 s8, s9;
	s9 =	sadd.s32 s30, s6  }
0xa: {  	s12 =	ssub.s32 s5, s31;
	s10 =	sadd.s32 s7, s6;
	s7 =	sshrl.u32 s29, $0x3  }
0xb: {  	s5 =	sadd.s32 $0x2AE00, s9;
	s11 =	sadd.s32 s7, s6;
	s6 =	sadd.s32 s8, s2  }
0xc: {  	s7 =	sadd.s32 $0x20E00, s10;
	s8 =	sadd.s32 $0x16E00, s10;
	s10 =	smax.u32 s12, $0x1  }
0xd: {  	s12 =	simm.s32 $0x2;
	s9 =	sadd.s32 $0x7A800, s11;
	s11 =	simm.s32 $0x11000  }
.LBB2_1:
0xe: {  	[tilespmem:s11], [sflag:$0x2] =	stream.linear.gather [hbm4b:s5+s3], $0xA000, $0x38;
	[tilespmem:$0x1B000] =	vst v63  }
0xf: {  	_ =	swait.ge [sflag:s12], $0xA000  }
0x10: {  	[sflag:s12] =	ssyncset.done $0x0  }
0x11: {  	[sflag:s12] =	ssyncadd.s32 $0xFFFF6000  }
0x12: {  	[spmem:s6] =	stream.linear.scatter [tilespmem:s11], [sflag:$0x2], $0xA000, $0x38;
	[tilespmem:$0x1B000] =	vst v63  }
0x13: {  	_ =	swait.ge [sflag:s12], $0xA000  }
0x14: {  	[sflag:s12] =	ssyncset.done $0x0  }
0x15: {  	[sflag:s12] =	ssyncadd.s32 $0xFFFF6000  }
0x16: {  	[tilespmem:s13], [sflag:$0x2] =	stream.linear.gather [hbm4b:s7+s3], $0x2800, $0x38;
	[tilespmem:$0x1B000] =	vst v63  }
0x17: {  	_ =	swait.ge [sflag:s12], $0x2800  }
0x18: {  	[sflag:s12] =	ssyncset.done $0x0  }
0x19: {  	[sflag:s12] =	ssyncadd.s32 $0xFFFFD800  }
0x1a: {  	[tilespmem:s14], [sflag:$0x2] =	stream.linear.gather [hbm4b:s8+s3], $0x2800, $0x38;
	[tilespmem:$0x1B000] =	vst v63  }
0x1b: {  	_ =	swait.ge [sflag:s12], $0x2800  }
0x1c: {  	[sflag:s12] =	ssyncset.done $0x0  }
0x1d: {  	[sflag:s12] =	ssyncadd.s32 $0xFFFFD800  }
0x1e: {  	s19 =	simm.s32 $0xA000;
	[bflag:$0x0] =	sbarrier.arrive $0xFFFF  }
0x1f: {  	[tilespmem:s16], [sflag:$0x1] =	stream.indirect.gather [hbm4b:s4+s15], $0x40, s19, s15, $0xb8;
	[tilespmem:$0x1B000] =	vst v63  }
0x20: {  	_ =	swait.ge [sflag:s17], $0x2000  }
0x21: {  	[sflag:s17] =	ssyncset.done $0x0  }
0x22: {  	s31 =	simm.s32 $0xC800;
	[sflag:s17] =	ssyncadd.s32 $0xFFFFE000  }
0x23: {  	[spmem:s2] =	stream.indirect.scatter.add.f32 [tilespmem:s16], [sflag:$0x2], $0x40, s31, s15, $0xb8;
	[tilespmem:$0x1B000] =	vst v63  }
0x24: {  	_ =	swait.ge [sflag:s12], $0x2000  }
0x25: {  	s20 =	simm.s32 $0x400;
	s19 =	simm.s32 $0x80;
	[sflag:s12] =	ssyncset.done $0x0  }
.LBB2_2:
0x26: {  	s21 =	sadd.s32 $0xA000, s19  }
0x27: {  	[sflag:s12] =	ssyncadd.s32 $0xFFFFE000;
	s22 =	smov.u32 s20;
	s23 =	sadd.s32 $0x200, s20  }
0x28: {  	[tilespmem:s16], [sflag:$0x1] =	stream.indirect.gather [hbm4b:s4+s15], $0x40, s21, s15, $0xb8;
	[tilespmem:$0x1B000] =	vst v63  }
0x29: {  	p0 =	sne.s32 s20, $0x9E00;
	_ =	swait.ge [sflag:s17], $0x2000  }
.Ltmp0:
0x2a: {  	[sflag:s17] =	ssyncset.done $0x0;
	(pc) =	sbr.rel @p0 .LBB2_2-.Ltmp0, $4  }
0x2b: {  	s19 =	sadd.s32 $0xC800, s19;
	[sflag:s17] =	ssyncadd.s32 $0xFFFFE000  }
0x2c: {  	[spmem:s2] =	stream.indirect.scatter.add.f32 [tilespmem:s16], [sflag:$0x2], $0x40, s19, s15, $0xb8;
	[tilespmem:$0x1B000] =	vst v63  }
0x2d: {  	_ =	swait.ge [sflag:s12], $0x2000  }
0x2e: {  	s20 =	smov.u32 s23;
	s19 =	sshra.s32 s22, $0x2;
	[sflag:s12] =	ssyncset.done $0x0  }
0x2f: {  	s20 =	sadd.s32 $0xA000, s19;
	[sflag:s12] =	ssyncadd.s32 $0xFFFFE000  }
0x30: {  	[tilespmem:s16], [sflag:$0x1] =	stream.indirect.gather [hbm4b:s4+s15], $0x40, s20, s15, $0xb8;
	[tilespmem:$0x1B000] =	vst v63  }
0x31: {  	_ =	swait.ge [sflag:s17], $0x2000  }
0x32: {  	[sflag:s17] =	ssyncset.done $0x0  }
0x33: {  	s31 =	sadd.s32 $0xC800, s19;
	[sflag:s17] =	ssyncadd.s32 $0xFFFFE000  }
0x34: {  	[spmem:s2] =	stream.indirect.scatter.add.f32 [tilespmem:s16], [sflag:$0x2], $0x40, s31, s15, $0xb8;
	[tilespmem:$0x1B000] =	vst v63  }
0x35: {  	_ =	swait.ge [sflag:s12], $0x2000  }
0x36: {  	[sflag:s12] =	ssyncset.done $0x0  }
0x37: {  	[sflag:s12] =	ssyncadd.s32 $0xFFFFE000  }
0x38: {  	[bflag:$0x0] =	sbarrier.arrive $0xFFFF  }
0x39: {  	[tilespmem:s11], [sflag:$0x2] =	stream.linear.gather [spmem:s6], $0xA000, $0x38;
	[tilespmem:$0x1B000] =	vst v63  }
0x3a: {  	s18 =	sadd.s32 $0x1, s18;
	_ =	swait.ge [sflag:s12], $0xA000  }
0x3b: {  	p0 =	sne.s32 s18, s10;
	[sflag:s12] =	ssyncset.done $0x0  }
.Ltmp1:
0x3c: {  	[sflag:s12] =	ssyncadd.s32 $0xFFFF6000;
	(pc) =	sbr.rel @p0 .LBB2_1-.Ltmp1, $4  }
0x3d: {  	[hbm4b:s9+s3] =	stream.linear.scatter [tilespmem:s11], [sflag:$0x2], $0xA000, $0x38;
	[tilespmem:$0x1B000] =	vst v63  }
0x3e: {  	_ =	swait.ge [sflag:s12], $0xA000  }
0x3f: {  	[sflag:s12] =	ssyncset.done $0x0  }
0x40: {  	[sflag:s12] =	ssyncadd.s32 $0xFFFF6000  }
0x41: {  	_ =	sfence.sel $0x180000  }
0x42: {  	[bflag:$0x0] =	sbarrier.arrive $0xFFFF  }
0x43: {  	p0 =	sne.s32 s0, $0x0;
	_ =	strace $0x9000004A  }
0x44: {  	s0 =	sadd.s32 @!p0 $0x100000, s1;
	[bflag:$0x2] =	sbarrier.arrive $0xFFFF  }
0x45: {  	[sflag:s0] =	ssyncadd.tile.s32 @!p0 $0x1;
	_ =	shalt  }
.Lfunc_end2:
_tile_overlayer_lowered:
.L_overlay_start_2:
0x46: {  	(tag) =	ssettag $0x2  }
0x47: {  	s0 =	rddreg [dreg:$0x0];
	s2 =	stileid.u32  }
0x48: {  	s1 =	rddreg [dreg:$0x1];
	p0 =	sne.s32 s2, $0x0  }
0x49: {  	s3 =	rddreg [dreg:$0x2];
	[bflag:$0x3] =	sbarrier.arrive $0xFFFF;
	s2 =	simm.s32 @!p0 $0x1C02  }
0x4a: {  	[timem:s3], [sflag:s2] =	dma.local @!p0 [hbm:s0], s1  }
0x4b: {  	s0 =	simm.s32 @!p0 $0x2  }
0x4c: {  	_ =	swait.ge @!p0 [sflag:s0], s1  }
0x4d: {  	s1 =	ssub.s32 @!p0 $0x0, s1;
	[sflag:s0] =	ssyncset.done @!p0 $0x0  }
0x4e: {  	[sflag:s0] =	ssyncadd.s32 @!p0 s1  }
0x4f: {  	[bflag:$0x3] =	sbarrier.arrive $0xFFFF  }
0x50: {  	_ =	shalt  }

</sc_bundles>
